<compile_context>
chip_gen: v7x
topology: tpu7x:2x2x1
jax: 0.10.2.dev20260603
libtpu: 0.0.44.dev20260713+nightly
codegen_flags: <defaults>
</compile_context>

<pallas_src>
import functools

import jax
import jax.numpy as jnp
from jax import lax
from jax.experimental import pallas as pl
from jax.experimental.pallas import tpu as pltpu
from jax.experimental.pallas import tpu_sc as plsc

_B = 16384
_D = 64
_NS = 16
_LANES = 16
_SLICE = 65536
_BPT = _B // _NS
_HALF = _BPT // 2


def _win_body(users_idxs, items_idxs, win_u, win_i, table_u, table_i,
              idx_buf, idx2_buf, win_buf, table_buf, sem):
    c = lax.axis_index("c")
    s = lax.axis_index("s")

    def flow(idx_hbm, table_hbm, win_hbm):
        lo = s * _SLICE
        pltpu.sync_copy(idx_hbm, idx_buf)
        lanes = lax.iota(jnp.int32, _LANES)

        def vec(k, carry):
            for u in range(8):
                j0 = (k * 8 + u) * _LANES
                vi = idx_buf[pl.ds(j0, _LANES)]
                local = vi - lo
                msk = (local >= 0) & (local < _SLICE)
                plsc.store_scatter(table_buf, [local], lanes + j0, mask=msk)
            return carry

        lax.fori_loop(0, _B // _LANES // 8, vec, 0)
        pltpu.sync_copy(table_buf, table_hbm.at[pl.ds(lo, _SLICE)])
        plsc.subcore_barrier()

        base = s * _BPT
        pltpu.sync_copy(idx_hbm.at[pl.ds(base, _BPT)], idx2_buf)
        pltpu.async_copy(table_hbm.at[idx2_buf], win_buf, sem).wait()
        pltpu.sync_copy(win_buf, win_hbm.at[pl.ds(base, _BPT)])

    @pl.when(c == 0)
    def _():
        flow(users_idxs, table_u, win_u)

    @pl.when(c == 1)
    def _():
        flow(items_idxs, table_i, win_i)


def _gather_body(win_u, win_i, users_values, items_values, out,
                 win_buf0, win_buf1, row_buf0, row_buf1, sem0, sem1):
    c = lax.axis_index("c")
    s = lax.axis_index("s")

    def flow(win_hbm, values_hbm, col):
        base = s * _BPT
        pltpu.sync_copy(win_hbm.at[pl.ds(base, _HALF)], win_buf0)
        cp0 = pltpu.async_copy(values_hbm.at[win_buf0], row_buf0, sem0)
        pltpu.sync_copy(win_hbm.at[pl.ds(base + _HALF, _HALF)], win_buf1)
        cp1 = pltpu.async_copy(values_hbm.at[win_buf1], row_buf1, sem1)
        cp0.wait()
        pltpu.sync_copy(row_buf0, out.at[pl.ds(base, _HALF), pl.ds(col, _D)])
        cp1.wait()
        pltpu.sync_copy(row_buf1,
                        out.at[pl.ds(base + _HALF, _HALF), pl.ds(col, _D)])

    @pl.when(c == 0)
    def _():
        flow(win_u, users_values, 0)

    @pl.when(c == 1)
    def _():
        flow(win_i, items_values, _D)


@functools.cache
def _build_win():
    mesh = plsc.VectorSubcoreMesh(core_axis_name="c", subcore_axis_name="s")
    return pl.kernel(
        _win_body,
        out_type=(
            jax.ShapeDtypeStruct((_B,), jnp.int32),
            jax.ShapeDtypeStruct((_B,), jnp.int32),
            jax.ShapeDtypeStruct((_NS * _SLICE,), jnp.int32),
            jax.ShapeDtypeStruct((_NS * _SLICE,), jnp.int32),
        ),
        scratch_types=[
            pltpu.VMEM((_B,), jnp.int32),
            pltpu.VMEM((_BPT,), jnp.int32),
            pltpu.VMEM((_BPT,), jnp.int32),
            pltpu.VMEM((_SLICE,), jnp.int32),
            pltpu.SemaphoreType.DMA,
        ],
        mesh=mesh,
        compiler_params=pltpu.CompilerParams(use_tc_tiling_on_sc=False,
                                             needs_layout_passes=False),
    )


@functools.cache
def _build_gather():
    mesh = plsc.VectorSubcoreMesh(core_axis_name="c", subcore_axis_name="s")
    return pl.kernel(
        _gather_body,
        out_type=jax.ShapeDtypeStruct((_B, 2 * _D), jnp.float32),
        scratch_types=[
            pltpu.VMEM((_HALF,), jnp.int32),
            pltpu.VMEM((_HALF,), jnp.int32),
            pltpu.VMEM((_HALF, _D), jnp.float32),
            pltpu.VMEM((_HALF, _D), jnp.float32),
            pltpu.SemaphoreType.DMA,
            pltpu.SemaphoreType.DMA,
        ],
        mesh=mesh,
        compiler_params=pltpu.CompilerParams(use_tc_tiling_on_sc=False,
                                             needs_layout_passes=False),
    )


def kernel(users_memory, items_memory, users_idxs, items_idxs,
           users_values, items_values):
    del users_memory, items_memory
    win_u, win_i, _, _ = _build_win()(users_idxs.astype(jnp.int32),
                                      items_idxs.astype(jnp.int32))
    return _build_gather()(win_u, win_i, users_values, items_values)

# --- scband reference (transcript-rebuilt; emitter-appended) ---
"""Pipeline reference for scband-memory-21199958573411 (READ-ONLY COPY).

The authoritative reference and input builder live on the scoring server;
editing this copy changes nothing except your own understanding.
"""

import jax, jax.numpy as jnp
import numpy as np

NUM_USERS = 1000000
NUM_ITEMS = 1000000
DU = 64
DI = 64
B = 16384


def setup_inputs(seed: int = 0) -> dict:
    key = jax.random.key(seed)
    k1, k2, k3, k4, k5, k6 = jax.random.split(key, 6)
    users_memory = jax.random.normal(k1, (NUM_USERS, DU), dtype=jnp.float32) * (1.0 / np.sqrt(DU))
    items_memory = jax.random.normal(k2, (NUM_ITEMS, DI), dtype=jnp.float32) * (1.0 / np.sqrt(DI))
    users_idxs = jax.random.randint(k3, (B,), 0, NUM_USERS, dtype=jnp.int64) if jax.config.jax_enable_x64 else jax.random.randint(k3, (B,), 0, NUM_USERS).astype(jnp.int32)
    items_idxs = jax.random.randint(k4, (B,), 0, NUM_ITEMS, dtype=jnp.int64) if jax.config.jax_enable_x64 else jax.random.randint(k4, (B,), 0, NUM_ITEMS).astype(jnp.int32)
    users_values = jax.random.normal(k5, (B, DU), dtype=jnp.float32)
    items_values = jax.random.normal(k6, (B, DI), dtype=jnp.float32)
    return {
        "users_memory": users_memory,
        "items_memory": items_memory,
        "users_idxs": users_idxs,
        "items_idxs": items_idxs,
        "users_values": users_values,
        "items_values": items_values,
    }


def reference(users_memory, items_memory, users_idxs, items_idxs, users_values, items_values):
    # update_users_memory / update_items_memory: scatter-overwrite rows
    new_users_memory = users_memory.at[users_idxs].set(users_values)
    new_items_memory = items_memory.at[items_idxs].set(items_values)
    # get_users_memory / get_items_memory: gather rows (post-update)
    gathered_users = jnp.take(new_users_memory, users_idxs, axis=0)
    gathered_items = jnp.take(new_items_memory, items_idxs, axis=0)
    return jnp.concatenate([gathered_users, gathered_items], axis=-1)

if __name__ == "__main__":
    import jax
    _d = setup_inputs()
    print(jax.jit(kernel)(*tuple(_d.values())))

</pallas_src>

<mosaic_0001>
#map = affine_map<(d0, d1) -> (0)>
module attributes {stable_mosaic.version = 14 : i64} {
  func.func @_win_body(%arg0: i32, %arg1: i32, %arg2: memref<16384xi32, #tpu.memory_space<hbm>>, %arg3: memref<16384xi32, #tpu.memory_space<hbm>>, %arg4: memref<16384xi32, #tpu.memory_space<hbm>>, %arg5: memref<16384xi32, #tpu.memory_space<hbm>>, %arg6: memref<1048576xi32, #tpu.memory_space<hbm>>, %arg7: memref<1048576xi32, #tpu.memory_space<hbm>>, %arg8: memref<16384xi32, #tpu.memory_space<vmem>>, %arg9: memref<1024xi32, #tpu.memory_space<vmem>>, %arg10: memref<1024xi32, #tpu.memory_space<vmem>>, %arg11: memref<65536xi32, #tpu.memory_space<vmem>>, %arg12: memref<!tpu.dma_semaphore, #tpu.memory_space<semaphore_mem>>) attributes {dimension_semantics = [#tpu.dimension_semantics<core_parallel>, #tpu.dimension_semantics<subcore_parallel>], iteration_bounds = array<i64: 2, 16>, scalar_prefetch = 0 : i64, scratch_operands = 5 : i64, tpu.core_type = #tpu.core_type<sc_vector_subcore>, window_params = [{transform_indices = #map}, {transform_indices = #map}, {transform_indices = #map}, {transform_indices = #map}, {transform_indices = #map}, {transform_indices = #map}]} {
    %eq3A = arith.constant 0 : i32
    %eq3A_0 = arith.cmpi eq, %arg0, %eq3A : i32
    %convert_element_type3A = arith.extui %eq3A_0 : i1 to i32
    %cond3A = arith.constant 0 : i32
    %cond3A_1 = arith.cmpi ne, %convert_element_type3A, %cond3A : i32
    scf.if %cond3A_1 {
      %mul3A = arith.constant 65536 : i32
      %mul3A_7 = arith.muli %arg1, %mul3A : i32
      "tpu.region"() ({
        %run_scoped3A = tpu.sem_alloc : memref<!tpu.dma_semaphore, #tpu.memory_space<semaphore_mem>>
        tpu.enqueue_dma source(%arg2 : memref<16384xi32, #tpu.memory_space<hbm>>) target(%arg8 : memref<16384xi32, #tpu.memory_space<vmem>>) target_semaphore(%run_scoped3A : memref<!tpu.dma_semaphore, #tpu.memory_space<semaphore_mem>>)
        tpu.wait_dma2 semaphore(%run_scoped3A : memref<!tpu.dma_semaphore, #tpu.memory_space<semaphore_mem>>) src(%arg2 : memref<16384xi32, #tpu.memory_space<hbm>>) dst(%arg8 : memref<16384xi32, #tpu.memory_space<vmem>>)
        tpu.yield
      }) : () -> ()
      %iota3A = tpu.iota {dimensions = array<i32: 0>} : vector<16xi32>
      %scan3A = arith.constant 0 : i32
      %scan3A_8 = arith.constant 0 : i32
      %scan3A_9 = arith.constant 128 : i32
      %scan3A_10 = arith.addi %scan3A_8, %scan3A_9 : i32
      %scan3A_11 = arith.constant 1 : i32
      scf.for %scan3A_17 = %scan3A_8 to %scan3A_10 step %scan3A_11  : i32 {
        %mul3A_18 = arith.constant 8 : i32
        %mul3A_19 = arith.muli %scan3A_17, %mul3A_18 : i32
        %add3A = arith.constant 0 : i32
        %add3A_20 = arith.addi %mul3A_19, %add3A : i32
        %mul3A_21 = arith.constant 16 : i32
        %mul3A_22 = arith.muli %add3A_20, %mul3A_21 : i32
        %get3A = arith.index_cast %mul3A_22 : i32 to index
        %get3A_23 = tpu.vector_load %arg8[%get3A] {strides = array<i32>} : memref<16384xi32, #tpu.memory_space<vmem>>, vector<16xi32>,
        %sub3A = vector.broadcast %mul3A_7 : i32 to vector<16xi32>
        %sub3A_24 = arith.subi %get3A_23, %sub3A : vector<16xi32>
        %ge3A = arith.constant 0 : i32
        %ge3A_25 = vector.broadcast %ge3A : i32 to vector<16xi32>
        %ge3A_26 = arith.cmpi sge, %sub3A_24, %ge3A_25 : vector<16xi32>
        %lt3A = arith.constant 65536 : i32
        %lt3A_27 = vector.broadcast %lt3A : i32 to vector<16xi32>
        %lt3A_28 = arith.cmpi slt, %sub3A_24, %lt3A_27 : vector<16xi32>
        %and3A = arith.andi %ge3A_26, %lt3A_28 : vector<16xi1>
        %add3A_29 = vector.broadcast %mul3A_22 : i32 to vector<16xi32>
        %add3A_30 = arith.addi %iota3A, %add3A_29 : vector<16xi32>
        tpu.vector_store_idx %arg11[%sub3A_24], %add3A_30 masked %and3A : memref<65536xi32, #tpu.memory_space<vmem>>[vector<16xi32>], vector<16xi32>, vector<16xi1>
        %mul3A_31 = arith.constant 8 : i32
        %mul3A_32 = arith.muli %scan3A_17, %mul3A_31 : i32
        %add3A_33 = arith.constant 1 : i32
        %add3A_34 = arith.addi %mul3A_32, %add3A_33 : i32
        %mul3A_35 = arith.constant 16 : i32
        %mul3A_36 = arith.muli %add3A_34, %mul3A_35 : i32
        %get3A_37 = arith.index_cast %mul3A_36 : i32 to index
        %get3A_38 = tpu.vector_load %arg8[%get3A_37] {strides = array<i32>} : memref<16384xi32, #tpu.memory_space<vmem>>, vector<16xi32>,
        %sub3A_39 = vector.broadcast %mul3A_7 : i32 to vector<16xi32>
        %sub3A_40 = arith.subi %get3A_38, %sub3A_39 : vector<16xi32>
        %ge3A_41 = arith.constant 0 : i32
        %ge3A_42 = vector.broadcast %ge3A_41 : i32 to vector<16xi32>
        %ge3A_43 = arith.cmpi sge, %sub3A_40, %ge3A_42 : vector<16xi32>
        %lt3A_44 = arith.constant 65536 : i32
        %lt3A_45 = vector.broadcast %lt3A_44 : i32 to vector<16xi32>
        %lt3A_46 = arith.cmpi slt, %sub3A_40, %lt3A_45 : vector<16xi32>
        %and3A_47 = arith.andi %ge3A_43, %lt3A_46 : vector<16xi1>
        %add3A_48 = vector.broadcast %mul3A_36 : i32 to vector<16xi32>
        %add3A_49 = arith.addi %iota3A, %add3A_48 : vector<16xi32>
        tpu.vector_store_idx %arg11[%sub3A_40], %add3A_49 masked %and3A_47 : memref<65536xi32, #tpu.memory_space<vmem>>[vector<16xi32>], vector<16xi32>, vector<16xi1>
        %mul3A_50 = arith.constant 8 : i32
        %mul3A_51 = arith.muli %scan3A_17, %mul3A_50 : i32
        %add3A_52 = arith.constant 2 : i32
        %add3A_53 = arith.addi %mul3A_51, %add3A_52 : i32
        %mul3A_54 = arith.constant 16 : i32
        %mul3A_55 = arith.muli %add3A_53, %mul3A_54 : i32
        %get3A_56 = arith.index_cast %mul3A_55 : i32 to index
        %get3A_57 = tpu.vector_load %arg8[%get3A_56] {strides = array<i32>} : memref<16384xi32, #tpu.memory_space<vmem>>, vector<16xi32>,
        %sub3A_58 = vector.broadcast %mul3A_7 : i32 to vector<16xi32>
        %sub3A_59 = arith.subi %get3A_57, %sub3A_58 : vector<16xi32>
        %ge3A_60 = arith.constant 0 : i32
        %ge3A_61 = vector.broadcast %ge3A_60 : i32 to vector<16xi32>
        %ge3A_62 = arith.cmpi sge, %sub3A_59, %ge3A_61 : vector<16xi32>
        %lt3A_63 = arith.constant 65536 : i32
        %lt3A_64 = vector.broadcast %lt3A_63 : i32 to vector<16xi32>
        %lt3A_65 = arith.cmpi slt, %sub3A_59, %lt3A_64 : vector<16xi32>
        %and3A_66 = arith.andi %ge3A_62, %lt3A_65 : vector<16xi1>
        %add3A_67 = vector.broadcast %mul3A_55 : i32 to vector<16xi32>
        %add3A_68 = arith.addi %iota3A, %add3A_67 : vector<16xi32>
        tpu.vector_store_idx %arg11[%sub3A_59], %add3A_68 masked %and3A_66 : memref<65536xi32, #tpu.memory_space<vmem>>[vector<16xi32>], vector<16xi32>, vector<16xi1>
        %mul3A_69 = arith.constant 8 : i32
        %mul3A_70 = arith.muli %scan3A_17, %mul3A_69 : i32
        %add3A_71 = arith.constant 3 : i32
        %add3A_72 = arith.addi %mul3A_70, %add3A_71 : i32
        %mul3A_73 = arith.constant 16 : i32
        %mul3A_74 = arith.muli %add3A_72, %mul3A_73 : i32
        %get3A_75 = arith.index_cast %mul3A_74 : i32 to index
        %get3A_76 = tpu.vector_load %arg8[%get3A_75] {strides = array<i32>} : memref<16384xi32, #tpu.memory_space<vmem>>, vector<16xi32>,
        %sub3A_77 = vector.broadcast %mul3A_7 : i32 to vector<16xi32>
        %sub3A_78 = arith.subi %get3A_76, %sub3A_77 : vector<16xi32>
        %ge3A_79 = arith.constant 0 : i32
        %ge3A_80 = vector.broadcast %ge3A_79 : i32 to vector<16xi32>
        %ge3A_81 = arith.cmpi sge, %sub3A_78, %ge3A_80 : vector<16xi32>
        %lt3A_82 = arith.constant 65536 : i32
        %lt3A_83 = vector.broadcast %lt3A_82 : i32 to vector<16xi32>
        %lt3A_84 = arith.cmpi slt, %sub3A_78, %lt3A_83 : vector<16xi32>
        %and3A_85 = arith.andi %ge3A_81, %lt3A_84 : vector<16xi1>
        %add3A_86 = vector.broadcast %mul3A_74 : i32 to vector<16xi32>
        %add3A_87 = arith.addi %iota3A, %add3A_86 : vector<16xi32>
        tpu.vector_store_idx %arg11[%sub3A_78], %add3A_87 masked %and3A_85 : memref<65536xi32, #tpu.memory_space<vmem>>[vector<16xi32>], vector<16xi32>, vector<16xi1>
        %mul3A_88 = arith.constant 8 : i32
        %mul3A_89 = arith.muli %scan3A_17, %mul3A_88 : i32
        %add3A_90 = arith.constant 4 : i32
        %add3A_91 = arith.addi %mul3A_89, %add3A_90 : i32
        %mul3A_92 = arith.constant 16 : i32
        %mul3A_93 = arith.muli %add3A_91, %mul3A_92 : i32
        %get3A_94 = arith.index_cast %mul3A_93 : i32 to index
        %get3A_95 = tpu.vector_load %arg8[%get3A_94] {strides = array<i32>} : memref<16384xi32, #tpu.memory_space<vmem>>, vector<16xi32>,
        %sub3A_96 = vector.broadcast %mul3A_7 : i32 to vector<16xi32>
        %sub3A_97 = arith.subi %get3A_95, %sub3A_96 : vector<16xi32>
        %ge3A_98 = arith.constant 0 : i32
        %ge3A_99 = vector.broadcast %ge3A_98 : i32 to vector<16xi32>
        %ge3A_100 = arith.cmpi sge, %sub3A_97, %ge3A_99 : vector<16xi32>
        %lt3A_101 = arith.constant 65536 : i32
        %lt3A_102 = vector.broadcast %lt3A_101 : i32 to vector<16xi32>
        %lt3A_103 = arith.cmpi slt, %sub3A_97, %lt3A_102 : vector<16xi32>
        %and3A_104 = arith.andi %ge3A_100, %lt3A_103 : vector<16xi1>
        %add3A_105 = vector.broadcast %mul3A_93 : i32 to vector<16xi32>
        %add3A_106 = arith.addi %iota3A, %add3A_105 : vector<16xi32>
        tpu.vector_store_idx %arg11[%sub3A_97], %add3A_106 masked %and3A_104 : memref<65536xi32, #tpu.memory_space<vmem>>[vector<16xi32>], vector<16xi32>, vector<16xi1>
        %mul3A_107 = arith.constant 8 : i32
        %mul3A_108 = arith.muli %scan3A_17, %mul3A_107 : i32
        %add3A_109 = arith.constant 5 : i32
        %add3A_110 = arith.addi %mul3A_108, %add3A_109 : i32
        %mul3A_111 = arith.constant 16 : i32
        %mul3A_112 = arith.muli %add3A_110, %mul3A_111 : i32
        %get3A_113 = arith.index_cast %mul3A_112 : i32 to index
        %get3A_114 = tpu.vector_load %arg8[%get3A_113] {strides = array<i32>} : memref<16384xi32, #tpu.memory_space<vmem>>, vector<16xi32>,
        %sub3A_115 = vector.broadcast %mul3A_7 : i32 to vector<16xi32>
        %sub3A_116 = arith.subi %get3A_114, %sub3A_115 : vector<16xi32>
        %ge3A_117 = arith.constant 0 : i32
        %ge3A_118 = vector.broadcast %ge3A_117 : i32 to vector<16xi32>
        %ge3A_119 = arith.cmpi sge, %sub3A_116, %ge3A_118 : vector<16xi32>
        %lt3A_120 = arith.constant 65536 : i32
        %lt3A_121 = vector.broadcast %lt3A_120 : i32 to vector<16xi32>
        %lt3A_122 = arith.cmpi slt, %sub3A_116, %lt3A_121 : vector<16xi32>
        %and3A_123 = arith.andi %ge3A_119, %lt3A_122 : vector<16xi1>
        %add3A_124 = vector.broadcast %mul3A_112 : i32 to vector<16xi32>
        %add3A_125 = arith.addi %iota3A, %add3A_124 : vector<16xi32>
        tpu.vector_store_idx %arg11[%sub3A_116], %add3A_125 masked %and3A_123 : memref<65536xi32, #tpu.memory_space<vmem>>[vector<16xi32>], vector<16xi32>, vector<16xi1>
        %mul3A_126 = arith.constant 8 : i32
        %mul3A_127 = arith.muli %scan3A_17, %mul3A_126 : i32
        %add3A_128 = arith.constant 6 : i32
        %add3A_129 = arith.addi %mul3A_127, %add3A_128 : i32
        %mul3A_130 = arith.constant 16 : i32
        %mul3A_131 = arith.muli %add3A_129, %mul3A_130 : i32
        %get3A_132 = arith.index_cast %mul3A_131 : i32 to index
        %get3A_133 = tpu.vector_load %arg8[%get3A_132] {strides = array<i32>} : memref<16384xi32, #tpu.memory_space<vmem>>, vector<16xi32>,
        %sub3A_134 = vector.broadcast %mul3A_7 : i32 to vector<16xi32>
        %sub3A_135 = arith.subi %get3A_133, %sub3A_134 : vector<16xi32>
        %ge3A_136 = arith.constant 0 : i32
        %ge3A_137 = vector.broadcast %ge3A_136 : i32 to vector<16xi32>
        %ge3A_138 = arith.cmpi sge, %sub3A_135, %ge3A_137 : vector<16xi32>
        %lt3A_139 = arith.constant 65536 : i32
        %lt3A_140 = vector.broadcast %lt3A_139 : i32 to vector<16xi32>
        %lt3A_141 = arith.cmpi slt, %sub3A_135, %lt3A_140 : vector<16xi32>
        %and3A_142 = arith.andi %ge3A_138, %lt3A_141 : vector<16xi1>
        %add3A_143 = vector.broadcast %mul3A_131 : i32 to vector<16xi32>
        %add3A_144 = arith.addi %iota3A, %add3A_143 : vector<16xi32>
        tpu.vector_store_idx %arg11[%sub3A_135], %add3A_144 masked %and3A_142 : memref<65536xi32, #tpu.memory_space<vmem>>[vector<16xi32>], vector<16xi32>, vector<16xi1>
        %mul3A_145 = arith.constant 8 : i32
        %mul3A_146 = arith.muli %scan3A_17, %mul3A_145 : i32
        %add3A_147 = arith.constant 7 : i32
        %add3A_148 = arith.addi %mul3A_146, %add3A_147 : i32
        %mul3A_149 = arith.constant 16 : i32
        %mul3A_150 = arith.muli %add3A_148, %mul3A_149 : i32
        %get3A_151 = arith.index_cast %mul3A_150 : i32 to index
        %get3A_152 = tpu.vector_load %arg8[%get3A_151] {strides = array<i32>} : memref<16384xi32, #tpu.memory_space<vmem>>, vector<16xi32>,
        %sub3A_153 = vector.broadcast %mul3A_7 : i32 to vector<16xi32>
        %sub3A_154 = arith.subi %get3A_152, %sub3A_153 : vector<16xi32>
        %ge3A_155 = arith.constant 0 : i32
        %ge3A_156 = vector.broadcast %ge3A_155 : i32 to vector<16xi32>
        %ge3A_157 = arith.cmpi sge, %sub3A_154, %ge3A_156 : vector<16xi32>
        %lt3A_158 = arith.constant 65536 : i32
        %lt3A_159 = vector.broadcast %lt3A_158 : i32 to vector<16xi32>
        %lt3A_160 = arith.cmpi slt, %sub3A_154, %lt3A_159 : vector<16xi32>
        %and3A_161 = arith.andi %ge3A_157, %lt3A_160 : vector<16xi1>
        %add3A_162 = vector.broadcast %mul3A_150 : i32 to vector<16xi32>
        %add3A_163 = arith.addi %iota3A, %add3A_162 : vector<16xi32>
        tpu.vector_store_idx %arg11[%sub3A_154], %add3A_163 masked %and3A_161 : memref<65536xi32, #tpu.memory_space<vmem>>[vector<16xi32>], vector<16xi32>, vector<16xi1>
      }
      %scan3A_12 = arith.constant 128 : i32
      "tpu.region"() ({
        %run_scoped3A = tpu.sem_alloc : memref<!tpu.dma_semaphore, #tpu.memory_space<semaphore_mem>>
        %dma_start3A_17 = tpu.memref_slice %arg6[%mul3A_7] : memref<1048576xi32, #tpu.memory_space<hbm>> -> memref<65536xi32, #tpu.memory_space<hbm>>
        %dma_start3A_18 = tpu.memref_slice %arg6[%mul3A_7] : memref<1048576xi32, #tpu.memory_space<hbm>> -> memref<65536xi32, #tpu.memory_space<hbm>>
        tpu.enqueue_dma source(%arg11 : memref<65536xi32, #tpu.memory_space<vmem>>) target(%dma_start3A_18 : memref<65536xi32, #tpu.memory_space<hbm>>) target_semaphore(%run_scoped3A : memref<!tpu.dma_semaphore, #tpu.memory_space<semaphore_mem>>)
        %dma_wait3A_19 = tpu.memref_slice %arg6[%mul3A_7] : memref<1048576xi32, #tpu.memory_space<hbm>> -> memref<65536xi32, #tpu.memory_space<hbm>>
        %dma_wait3A_20 = tpu.memref_slice %arg6[%mul3A_7] : memref<1048576xi32, #tpu.memory_space<hbm>> -> memref<65536xi32, #tpu.memory_space<hbm>>
        tpu.wait_dma2 semaphore(%run_scoped3A : memref<!tpu.dma_semaphore, #tpu.memory_space<semaphore_mem>>) src(%arg11 : memref<65536xi32, #tpu.memory_space<vmem>>) dst(%dma_wait3A_20 : memref<65536xi32, #tpu.memory_space<hbm>>)
        tpu.yield
      }) : () -> ()
      %barrier3A = arith.constant 0 : index
      tpu.barrier barrier_id(%barrier3A)
      %mul3A_13 = arith.constant 1024 : i32
      %mul3A_14 = arith.muli %arg1, %mul3A_13 : i32
      "tpu.region"() ({
        %run_scoped3A = tpu.sem_alloc : memref<!tpu.dma_semaphore, #tpu.memory_space<semaphore_mem>>
        %dma_start3A_17 = tpu.memref_slice %arg2[%mul3A_14] : memref<16384xi32, #tpu.memory_space<hbm>> -> memref<1024xi32, #tpu.memory_space<hbm>>
        %dma_start3A_18 = tpu.memref_slice %arg2[%mul3A_14] : memref<16384xi32, #tpu.memory_space<hbm>> -> memref<1024xi32, #tpu.memory_space<hbm>>
        tpu.enqueue_dma source(%dma_start3A_18 : memref<1024xi32, #tpu.memory_space<hbm>>) target(%arg9 : memref<1024xi32, #tpu.memory_space<vmem>>) target_semaphore(%run_scoped3A : memref<!tpu.dma_semaphore, #tpu.memory_space<semaphore_mem>>)
        %dma_wait3A_19 = tpu.memref_slice %arg2[%mul3A_14] : memref<16384xi32, #tpu.memory_space<hbm>> -> memref<1024xi32, #tpu.memory_space<hbm>>
        %dma_wait3A_20 = tpu.memref_slice %arg2[%mul3A_14] : memref<16384xi32, #tpu.memory_space<hbm>> -> memref<1024xi32, #tpu.memory_space<hbm>>
        tpu.wait_dma2 semaphore(%run_scoped3A : memref<!tpu.dma_semaphore, #tpu.memory_space<semaphore_mem>>) src(%dma_wait3A_20 : memref<1024xi32, #tpu.memory_space<hbm>>) dst(%arg9 : memref<1024xi32, #tpu.memory_space<vmem>>)
        tpu.yield
      }) : () -> ()
      %dma_start3A = arith.constant 0 : i32
      %dma_start3A_15 = tpu.memref_slice %arg6[%dma_start3A] : memref<1048576xi32, #tpu.memory_space<hbm>> -> memref<1048576xi32, #tpu.memory_space<hbm>>
      tpu.enqueue_indirect_dma source(%dma_start3A_15 : memref<1048576xi32, #tpu.memory_space<hbm>>) target(%arg10 : memref<1024xi32, #tpu.memory_space<vmem>>) offsets(%arg9 : memref<1024xi32, #tpu.memory_space<vmem>>) semaphore(%arg12 : memref<!tpu.dma_semaphore, #tpu.memory_space<semaphore_mem>>)
      %dma_wait3A = arith.constant 0 : i32
      %dma_wait3A_16 = tpu.memref_slice %arg6[%dma_wait3A] : memref<1048576xi32, #tpu.memory_space<hbm>> -> memref<1048576xi32, #tpu.memory_space<hbm>>
      tpu.wait_indirect_dma semaphore(%arg12 : memref<!tpu.dma_semaphore, #tpu.memory_space<semaphore_mem>>) src(%dma_wait3A_16 : memref<1048576xi32, #tpu.memory_space<hbm>>) dst(%arg10 : memref<1024xi32, #tpu.memory_space<vmem>>)
      "tpu.region"() ({
        %run_scoped3A = tpu.sem_alloc : memref<!tpu.dma_semaphore, #tpu.memory_space<semaphore_mem>>
        %dma_start3A_17 = tpu.memref_slice %arg4[%mul3A_14] : memref<16384xi32, #tpu.memory_space<hbm>> -> memref<1024xi32, #tpu.memory_space<hbm>>
        %dma_start3A_18 = tpu.memref_slice %arg4[%mul3A_14] : memref<16384xi32, #tpu.memory_space<hbm>> -> memref<1024xi32, #tpu.memory_space<hbm>>
        tpu.enqueue_dma source(%arg10 : memref<1024xi32, #tpu.memory_space<vmem>>) target(%dma_start3A_18 : memref<1024xi32, #tpu.memory_space<hbm>>) target_semaphore(%run_scoped3A : memref<!tpu.dma_semaphore, #tpu.memory_space<semaphore_mem>>)
        %dma_wait3A_19 = tpu.memref_slice %arg4[%mul3A_14] : memref<16384xi32, #tpu.memory_space<hbm>> -> memref<1024xi32, #tpu.memory_space<hbm>>
        %dma_wait3A_20 = tpu.memref_slice %arg4[%mul3A_14] : memref<16384xi32, #tpu.memory_space<hbm>> -> memref<1024xi32, #tpu.memory_space<hbm>>
        tpu.wait_dma2 semaphore(%run_scoped3A : memref<!tpu.dma_semaphore, #tpu.memory_space<semaphore_mem>>) src(%arg10 : memref<1024xi32, #tpu.memory_space<vmem>>) dst(%dma_wait3A_20 : memref<1024xi32, #tpu.memory_space<hbm>>)
        tpu.yield
      }) : () -> ()
    } else {
    }
    %eq3A_2 = arith.constant 1 : i32
    %eq3A_3 = arith.cmpi eq, %arg0, %eq3A_2 : i32
    %convert_element_type3A_4 = arith.extui %eq3A_3 : i1 to i32
    %cond3A_5 = arith.constant 0 : i32
    %cond3A_6 = arith.cmpi ne, %convert_element_type3A_4, %cond3A_5 : i32
    scf.if %cond3A_6 {
      %mul3A = arith.constant 65536 : i32
      %mul3A_7 = arith.muli %arg1, %mul3A : i32
      "tpu.region"() ({
        %run_scoped3A = tpu.sem_alloc : memref<!tpu.dma_semaphore, #tpu.memory_space<semaphore_mem>>
        tpu.enqueue_dma source(%arg3 : memref<16384xi32, #tpu.memory_space<hbm>>) target(%arg8 : memref<16384xi32, #tpu.memory_space<vmem>>) target_semaphore(%run_scoped3A : memref<!tpu.dma_semaphore, #tpu.memory_space<semaphore_mem>>)
        tpu.wait_dma2 semaphore(%run_scoped3A : memref<!tpu.dma_semaphore, #tpu.memory_space<semaphore_mem>>) src(%arg3 : memref<16384xi32, #tpu.memory_space<hbm>>) dst(%arg8 : memref<16384xi32, #tpu.memory_space<vmem>>)
        tpu.yield
      }) : () -> ()
      %iota3A = tpu.iota {dimensions = array<i32: 0>} : vector<16xi32>
      %scan3A = arith.constant 0 : i32
      %scan3A_8 = arith.constant 0 : i32
      %scan3A_9 = arith.constant 128 : i32
      %scan3A_10 = arith.addi %scan3A_8, %scan3A_9 : i32
      %scan3A_11 = arith.constant 1 : i32
      scf.for %scan3A_17 = %scan3A_8 to %scan3A_10 step %scan3A_11  : i32 {
        %mul3A_18 = arith.constant 8 : i32
        %mul3A_19 = arith.muli %scan3A_17, %mul3A_18 : i32
        %add3A = arith.constant 0 : i32
        %add3A_20 = arith.addi %mul3A_19, %add3A : i32
        %mul3A_21 = arith.constant 16 : i32
        %mul3A_22 = arith.muli %add3A_20, %mul3A_21 : i32
        %get3A = arith.index_cast %mul3A_22 : i32 to index
        %get3A_23 = tpu.vector_load %arg8[%get3A] {strides = array<i32>} : memref<16384xi32, #tpu.memory_space<vmem>>, vector<16xi32>,
        %sub3A = vector.broadcast %mul3A_7 : i32 to vector<16xi32>
        %sub3A_24 = arith.subi %get3A_23, %sub3A : vector<16xi32>
        %ge3A = arith.constant 0 : i32
        %ge3A_25 = vector.broadcast %ge3A : i32 to vector<16xi32>
        %ge3A_26 = arith.cmpi sge, %sub3A_24, %ge3A_25 : vector<16xi32>
        %lt3A = arith.constant 65536 : i32
        %lt3A_27 = vector.broadcast %lt3A : i32 to vector<16xi32>
        %lt3A_28 = arith.cmpi slt, %sub3A_24, %lt3A_27 : vector<16xi32>
        %and3A = arith.andi %ge3A_26, %lt3A_28 : vector<16xi1>
        %add3A_29 = vector.broadcast %mul3A_22 : i32 to vector<16xi32>
        %add3A_30 = arith.addi %iota3A, %add3A_29 : vector<16xi32>
        tpu.vector_store_idx %arg11[%sub3A_24], %add3A_30 masked %and3A : memref<65536xi32, #tpu.memory_space<vmem>>[vector<16xi32>], vector<16xi32>, vector<16xi1>
        %mul3A_31 = arith.constant 8 : i32
        %mul3A_32 = arith.muli %scan3A_17, %mul3A_31 : i32
        %add3A_33 = arith.constant 1 : i32
        %add3A_34 = arith.addi %mul3A_32, %add3A_33 : i32
        %mul3A_35 = arith.constant 16 : i32
        %mul3A_36 = arith.muli %add3A_34, %mul3A_35 : i32
        %get3A_37 = arith.index_cast %mul3A_36 : i32 to index
        %get3A_38 = tpu.vector_load %arg8[%get3A_37] {strides = array<i32>} : memref<16384xi32, #tpu.memory_space<vmem>>, vector<16xi32>,
        %sub3A_39 = vector.broadcast %mul3A_7 : i32 to vector<16xi32>
        %sub3A_40 = arith.subi %get3A_38, %sub3A_39 : vector<16xi32>
        %ge3A_41 = arith.constant 0 : i32
        %ge3A_42 = vector.broadcast %ge3A_41 : i32 to vector<16xi32>
        %ge3A_43 = arith.cmpi sge, %sub3A_40, %ge3A_42 : vector<16xi32>
        %lt3A_44 = arith.constant 65536 : i32
        %lt3A_45 = vector.broadcast %lt3A_44 : i32 to vector<16xi32>
        %lt3A_46 = arith.cmpi slt, %sub3A_40, %lt3A_45 : vector<16xi32>
        %and3A_47 = arith.andi %ge3A_43, %lt3A_46 : vector<16xi1>
        %add3A_48 = vector.broadcast %mul3A_36 : i32 to vector<16xi32>
        %add3A_49 = arith.addi %iota3A, %add3A_48 : vector<16xi32>
        tpu.vector_store_idx %arg11[%sub3A_40], %add3A_49 masked %and3A_47 : memref<65536xi32, #tpu.memory_space<vmem>>[vector<16xi32>], vector<16xi32>, vector<16xi1>
        %mul3A_50 = arith.constant 8 : i32
        %mul3A_51 = arith.muli %scan3A_17, %mul3A_50 : i32
        %add3A_52 = arith.constant 2 : i32
        %add3A_53 = arith.addi %mul3A_51, %add3A_52 : i32
        %mul3A_54 = arith.constant 16 : i32
        %mul3A_55 = arith.muli %add3A_53, %mul3A_54 : i32
        %get3A_56 = arith.index_cast %mul3A_55 : i32 to index
        %get3A_57 = tpu.vector_load %arg8[%get3A_56] {strides = array<i32>} : memref<16384xi32, #tpu.memory_space<vmem>>, vector<16xi32>,
        %sub3A_58 = vector.broadcast %mul3A_7 : i32 to vector<16xi32>
        %sub3A_59 = arith.subi %get3A_57, %sub3A_58 : vector<16xi32>
        %ge3A_60 = arith.constant 0 : i32
        %ge3A_61 = vector.broadcast %ge3A_60 : i32 to vector<16xi32>
        %ge3A_62 = arith.cmpi sge, %sub3A_59, %ge3A_61 : vector<16xi32>
        %lt3A_63 = arith.constant 65536 : i32
        %lt3A_64 = vector.broadcast %lt3A_63 : i32 to vector<16xi32>
        %lt3A_65 = arith.cmpi slt, %sub3A_59, %lt3A_64 : vector<16xi32>
        %and3A_66 = arith.andi %ge3A_62, %lt3A_65 : vector<16xi1>
        %add3A_67 = vector.broadcast %mul3A_55 : i32 to vector<16xi32>
        %add3A_68 = arith.addi %iota3A, %add3A_67 : vector<16xi32>
        tpu.vector_store_idx %arg11[%sub3A_59], %add3A_68 masked %and3A_66 : memref<65536xi32, #tpu.memory_space<vmem>>[vector<16xi32>], vector<16xi32>, vector<16xi1>
        %mul3A_69 = arith.constant 8 : i32
        %mul3A_70 = arith.muli %scan3A_17, %mul3A_69 : i32
        %add3A_71 = arith.constant 3 : i32
        %add3A_72 = arith.addi %mul3A_70, %add3A_71 : i32
        %mul3A_73 = arith.constant 16 : i32
        %mul3A_74 = arith.muli %add3A_72, %mul3A_73 : i32
        %get3A_75 = arith.index_cast %mul3A_74 : i32 to index
        %get3A_76 = tpu.vector_load %arg8[%get3A_75] {strides = array<i32>} : memref<16384xi32, #tpu.memory_space<vmem>>, vector<16xi32>,
        %sub3A_77 = vector.broadcast %mul3A_7 : i32 to vector<16xi32>
        %sub3A_78 = arith.subi %get3A_76, %sub3A_77 : vector<16xi32>
        %ge3A_79 = arith.constant 0 : i32
        %ge3A_80 = vector.broadcast %ge3A_79 : i32 to vector<16xi32>
        %ge3A_81 = arith.cmpi sge, %sub3A_78, %ge3A_80 : vector<16xi32>
        %lt3A_82 = arith.constant 65536 : i32
        %lt3A_83 = vector.broadcast %lt3A_82 : i32 to vector<16xi32>
        %lt3A_84 = arith.cmpi slt, %sub3A_78, %lt3A_83 : vector<16xi32>
        %and3A_85 = arith.andi %ge3A_81, %lt3A_84 : vector<16xi1>
        %add3A_86 = vector.broadcast %mul3A_74 : i32 to vector<16xi32>
        %add3A_87 = arith.addi %iota3A, %add3A_86 : vector<16xi32>
        tpu.vector_store_idx %arg11[%sub3A_78], %add3A_87 masked %and3A_85 : memref<65536xi32, #tpu.memory_space<vmem>>[vector<16xi32>], vector<16xi32>, vector<16xi1>
        %mul3A_88 = arith.constant 8 : i32
        %mul3A_89 = arith.muli %scan3A_17, %mul3A_88 : i32
        %add3A_90 = arith.constant 4 : i32
        %add3A_91 = arith.addi %mul3A_89, %add3A_90 : i32
        %mul3A_92 = arith.constant 16 : i32
        %mul3A_93 = arith.muli %add3A_91, %mul3A_92 : i32
        %get3A_94 = arith.index_cast %mul3A_93 : i32 to index
        %get3A_95 = tpu.vector_load %arg8[%get3A_94] {strides = array<i32>} : memref<16384xi32, #tpu.memory_space<vmem>>, vector<16xi32>,
        %sub3A_96 = vector.broadcast %mul3A_7 : i32 to vector<16xi32>
        %sub3A_97 = arith.subi %get3A_95, %sub3A_96 : vector<16xi32>
        %ge3A_98 = arith.constant 0 : i32
        %ge3A_99 = vector.broadcast %ge3A_98 : i32 to vector<16xi32>
        %ge3A_100 = arith.cmpi sge, %sub3A_97, %ge3A_99 : vector<16xi32>
        %lt3A_101 = arith.constant 65536 : i32
        %lt3A_102 = vector.broadcast %lt3A_101 : i32 to vector<16xi32>
        %lt3A_103 = arith.cmpi slt, %sub3A_97, %lt3A_102 : vector<16xi32>
        %and3A_104 = arith.andi %ge3A_100, %lt3A_103 : vector<16xi1>
        %add3A_105 = vector.broadcast %mul3A_93 : i32 to vector<16xi32>
        %add3A_106 = arith.addi %iota3A, %add3A_105 : vector<16xi32>
        tpu.vector_store_idx %arg11[%sub3A_97], %add3A_106 masked %and3A_104 : memref<65536xi32, #tpu.memory_space<vmem>>[vector<16xi32>], vector<16xi32>, vector<16xi1>
        %mul3A_107 = arith.constant 8 : i32
        %mul3A_108 = arith.muli %scan3A_17, %mul3A_107 : i32
        %add3A_109 = arith.constant 5 : i32
        %add3A_110 = arith.addi %mul3A_108, %add3A_109 : i32
        %mul3A_111 = arith.constant 16 : i32
        %mul3A_112 = arith.muli %add3A_110, %mul3A_111 : i32
        %get3A_113 = arith.index_cast %mul3A_112 : i32 to index
        %get3A_114 = tpu.vector_load %arg8[%get3A_113] {strides = array<i32>} : memref<16384xi32, #tpu.memory_space<vmem>>, vector<16xi32>,
        %sub3A_115 = vector.broadcast %mul3A_7 : i32 to vector<16xi32>
        %sub3A_116 = arith.subi %get3A_114, %sub3A_115 : vector<16xi32>
        %ge3A_117 = arith.constant 0 : i32
        %ge3A_118 = vector.broadcast %ge3A_117 : i32 to vector<16xi32>
        %ge3A_119 = arith.cmpi sge, %sub3A_116, %ge3A_118 : vector<16xi32>
        %lt3A_120 = arith.constant 65536 : i32
        %lt3A_121 = vector.broadcast %lt3A_120 : i32 to vector<16xi32>
        %lt3A_122 = arith.cmpi slt, %sub3A_116, %lt3A_121 : vector<16xi32>
        %and3A_123 = arith.andi %ge3A_119, %lt3A_122 : vector<16xi1>
        %add3A_124 = vector.broadcast %mul3A_112 : i32 to vector<16xi32>
        %add3A_125 = arith.addi %iota3A, %add3A_124 : vector<16xi32>
        tpu.vector_store_idx %arg11[%sub3A_116], %add3A_125 masked %and3A_123 : memref<65536xi32, #tpu.memory_space<vmem>>[vector<16xi32>], vector<16xi32>, vector<16xi1>
        %mul3A_126 = arith.constant 8 : i32
        %mul3A_127 = arith.muli %scan3A_17, %mul3A_126 : i32
        %add3A_128 = arith.constant 6 : i32
        %add3A_129 = arith.addi %mul3A_127, %add3A_128 : i32
        %mul3A_130 = arith.constant 16 : i32
        %mul3A_131 = arith.muli %add3A_129, %mul3A_130 : i32
        %get3A_132 = arith.index_cast %mul3A_131 : i32 to index
        %get3A_133 = tpu.vector_load %arg8[%get3A_132] {strides = array<i32>} : memref<16384xi32, #tpu.memory_space<vmem>>, vector<16xi32>,
        %sub3A_134 = vector.broadcast %mul3A_7 : i32 to vector<16xi32>
        %sub3A_135 = arith.subi %get3A_133, %sub3A_134 : vector<16xi32>
        %ge3A_136 = arith.constant 0 : i32
        %ge3A_137 = vector.broadcast %ge3A_136 : i32 to vector<16xi32>
        %ge3A_138 = arith.cmpi sge, %sub3A_135, %ge3A_137 : vector<16xi32>
        %lt3A_139 = arith.constant 65536 : i32
        %lt3A_140 = vector.broadcast %lt3A_139 : i32 to vector<16xi32>
        %lt3A_141 = arith.cmpi slt, %sub3A_135, %lt3A_140 : vector<16xi32>
        %and3A_142 = arith.andi %ge3A_138, %lt3A_141 : vector<16xi1>
        %add3A_143 = vector.broadcast %mul3A_131 : i32 to vector<16xi32>
        %add3A_144 = arith.addi %iota3A, %add3A_143 : vector<16xi32>
        tpu.vector_store_idx %arg11[%sub3A_135], %add3A_144 masked %and3A_142 : memref<65536xi32, #tpu.memory_space<vmem>>[vector<16xi32>], vector<16xi32>, vector<16xi1>
        %mul3A_145 = arith.constant 8 : i32
        %mul3A_146 = arith.muli %scan3A_17, %mul3A_145 : i32
        %add3A_147 = arith.constant 7 : i32
        %add3A_148 = arith.addi %mul3A_146, %add3A_147 : i32
        %mul3A_149 = arith.constant 16 : i32
        %mul3A_150 = arith.muli %add3A_148, %mul3A_149 : i32
        %get3A_151 = arith.index_cast %mul3A_150 : i32 to index
        %get3A_152 = tpu.vector_load %arg8[%get3A_151] {strides = array<i32>} : memref<16384xi32, #tpu.memory_space<vmem>>, vector<16xi32>,
        %sub3A_153 = vector.broadcast %mul3A_7 : i32 to vector<16xi32>
        %sub3A_154 = arith.subi %get3A_152, %sub3A_153 : vector<16xi32>
        %ge3A_155 = arith.constant 0 : i32
        %ge3A_156 = vector.broadcast %ge3A_155 : i32 to vector<16xi32>
        %ge3A_157 = arith.cmpi sge, %sub3A_154, %ge3A_156 : vector<16xi32>
        %lt3A_158 = arith.constant 65536 : i32
        %lt3A_159 = vector.broadcast %lt3A_158 : i32 to vector<16xi32>
        %lt3A_160 = arith.cmpi slt, %sub3A_154, %lt3A_159 : vector<16xi32>
        %and3A_161 = arith.andi %ge3A_157, %lt3A_160 : vector<16xi1>
        %add3A_162 = vector.broadcast %mul3A_150 : i32 to vector<16xi32>
        %add3A_163 = arith.addi %iota3A, %add3A_162 : vector<16xi32>
        tpu.vector_store_idx %arg11[%sub3A_154], %add3A_163 masked %and3A_161 : memref<65536xi32, #tpu.memory_space<vmem>>[vector<16xi32>], vector<16xi32>, vector<16xi1>
      }
      %scan3A_12 = arith.constant 128 : i32
      "tpu.region"() ({
        %run_scoped3A = tpu.sem_alloc : memref<!tpu.dma_semaphore, #tpu.memory_space<semaphore_mem>>
        %dma_start3A_17 = tpu.memref_slice %arg7[%mul3A_7] : memref<1048576xi32, #tpu.memory_space<hbm>> -> memref<65536xi32, #tpu.memory_space<hbm>>
        %dma_start3A_18 = tpu.memref_slice %arg7[%mul3A_7] : memref<1048576xi32, #tpu.memory_space<hbm>> -> memref<65536xi32, #tpu.memory_space<hbm>>
        tpu.enqueue_dma source(%arg11 : memref<65536xi32, #tpu.memory_space<vmem>>) target(%dma_start3A_18 : memref<65536xi32, #tpu.memory_space<hbm>>) target_semaphore(%run_scoped3A : memref<!tpu.dma_semaphore, #tpu.memory_space<semaphore_mem>>)
        %dma_wait3A_19 = tpu.memref_slice %arg7[%mul3A_7] : memref<1048576xi32, #tpu.memory_space<hbm>> -> memref<65536xi32, #tpu.memory_space<hbm>>
        %dma_wait3A_20 = tpu.memref_slice %arg7[%mul3A_7] : memref<1048576xi32, #tpu.memory_space<hbm>> -> memref<65536xi32, #tpu.memory_space<hbm>>
        tpu.wait_dma2 semaphore(%run_scoped3A : memref<!tpu.dma_semaphore, #tpu.memory_space<semaphore_mem>>) src(%arg11 : memref<65536xi32, #tpu.memory_space<vmem>>) dst(%dma_wait3A_20 : memref<65536xi32, #tpu.memory_space<hbm>>)
        tpu.yield
      }) : () -> ()
      %barrier3A = arith.constant 0 : index
      tpu.barrier barrier_id(%barrier3A)
      %mul3A_13 = arith.constant 1024 : i32
      %mul3A_14 = arith.muli %arg1, %mul3A_13 : i32
      "tpu.region"() ({
        %run_scoped3A = tpu.sem_alloc : memref<!tpu.dma_semaphore, #tpu.memory_space<semaphore_mem>>
        %dma_start3A_17 = tpu.memref_slice %arg3[%mul3A_14] : memref<16384xi32, #tpu.memory_space<hbm>> -> memref<1024xi32, #tpu.memory_space<hbm>>
        %dma_start3A_18 = tpu.memref_slice %arg3[%mul3A_14] : memref<16384xi32, #tpu.memory_space<hbm>> -> memref<1024xi32, #tpu.memory_space<hbm>>
        tpu.enqueue_dma source(%dma_start3A_18 : memref<1024xi32, #tpu.memory_space<hbm>>) target(%arg9 : memref<1024xi32, #tpu.memory_space<vmem>>) target_semaphore(%run_scoped3A : memref<!tpu.dma_semaphore, #tpu.memory_space<semaphore_mem>>)
        %dma_wait3A_19 = tpu.memref_slice %arg3[%mul3A_14] : memref<16384xi32, #tpu.memory_space<hbm>> -> memref<1024xi32, #tpu.memory_space<hbm>>
        %dma_wait3A_20 = tpu.memref_slice %arg3[%mul3A_14] : memref<16384xi32, #tpu.memory_space<hbm>> -> memref<1024xi32, #tpu.memory_space<hbm>>
        tpu.wait_dma2 semaphore(%run_scoped3A : memref<!tpu.dma_semaphore, #tpu.memory_space<semaphore_mem>>) src(%dma_wait3A_20 : memref<1024xi32, #tpu.memory_space<hbm>>) dst(%arg9 : memref<1024xi32, #tpu.memory_space<vmem>>)
        tpu.yield
      }) : () -> ()
      %dma_start3A = arith.constant 0 : i32
      %dma_start3A_15 = tpu.memref_slice %arg7[%dma_start3A] : memref<1048576xi32, #tpu.memory_space<hbm>> -> memref<1048576xi32, #tpu.memory_space<hbm>>
      tpu.enqueue_indirect_dma source(%dma_start3A_15 : memref<1048576xi32, #tpu.memory_space<hbm>>) target(%arg10 : memref<1024xi32, #tpu.memory_space<vmem>>) offsets(%arg9 : memref<1024xi32, #tpu.memory_space<vmem>>) semaphore(%arg12 : memref<!tpu.dma_semaphore, #tpu.memory_space<semaphore_mem>>)
      %dma_wait3A = arith.constant 0 : i32
      %dma_wait3A_16 = tpu.memref_slice %arg7[%dma_wait3A] : memref<1048576xi32, #tpu.memory_space<hbm>> -> memref<1048576xi32, #tpu.memory_space<hbm>>
      tpu.wait_indirect_dma semaphore(%arg12 : memref<!tpu.dma_semaphore, #tpu.memory_space<semaphore_mem>>) src(%dma_wait3A_16 : memref<1048576xi32, #tpu.memory_space<hbm>>) dst(%arg10 : memref<1024xi32, #tpu.memory_space<vmem>>)
      "tpu.region"() ({
        %run_scoped3A = tpu.sem_alloc : memref<!tpu.dma_semaphore, #tpu.memory_space<semaphore_mem>>
        %dma_start3A_17 = tpu.memref_slice %arg5[%mul3A_14] : memref<16384xi32, #tpu.memory_space<hbm>> -> memref<1024xi32, #tpu.memory_space<hbm>>
        %dma_start3A_18 = tpu.memref_slice %arg5[%mul3A_14] : memref<16384xi32, #tpu.memory_space<hbm>> -> memref<1024xi32, #tpu.memory_space<hbm>>
        tpu.enqueue_dma source(%arg10 : memref<1024xi32, #tpu.memory_space<vmem>>) target(%dma_start3A_18 : memref<1024xi32, #tpu.memory_space<hbm>>) target_semaphore(%run_scoped3A : memref<!tpu.dma_semaphore, #tpu.memory_space<semaphore_mem>>)
        %dma_wait3A_19 = tpu.memref_slice %arg5[%mul3A_14] : memref<16384xi32, #tpu.memory_space<hbm>> -> memref<1024xi32, #tpu.memory_space<hbm>>
        %dma_wait3A_20 = tpu.memref_slice %arg5[%mul3A_14] : memref<16384xi32, #tpu.memory_space<hbm>> -> memref<1024xi32, #tpu.memory_space<hbm>>
        tpu.wait_dma2 semaphore(%run_scoped3A : memref<!tpu.dma_semaphore, #tpu.memory_space<semaphore_mem>>) src(%arg10 : memref<1024xi32, #tpu.memory_space<vmem>>) dst(%dma_wait3A_20 : memref<1024xi32, #tpu.memory_space<hbm>>)
        tpu.yield
      }) : () -> ()
    } else {
    }
    return
  }
}

#map = affine_map<(d0, d1) -> (0)>
#map1 = affine_map<(d0, d1) -> (0, 0)>
module attributes {stable_mosaic.version = 14 : i64} {
  func.func @_gather_body(%arg0: i32, %arg1: i32, %arg2: memref<16384xi32, #tpu.memory_space<hbm>>, %arg3: memref<16384xi32, #tpu.memory_space<hbm>>, %arg4: memref<16384x64xf32, #tpu.memory_space<hbm>>, %arg5: memref<16384x64xf32, #tpu.memory_space<hbm>>, %arg6: memref<16384x128xf32, #tpu.memory_space<hbm>>, %arg7: memref<512xi32, #tpu.memory_space<vmem>>, %arg8: memref<512xi32, #tpu.memory_space<vmem>>, %arg9: memref<512x64xf32, #tpu.memory_space<vmem>>, %arg10: memref<512x64xf32, #tpu.memory_space<vmem>>, %arg11: memref<!tpu.dma_semaphore, #tpu.memory_space<semaphore_mem>>, %arg12: memref<!tpu.dma_semaphore, #tpu.memory_space<semaphore_mem>>) attributes {dimension_semantics = [#tpu.dimension_semantics<core_parallel>, #tpu.dimension_semantics<subcore_parallel>], iteration_bounds = array<i64: 2, 16>, scalar_prefetch = 0 : i64, scratch_operands = 6 : i64, tpu.core_type = #tpu.core_type<sc_vector_subcore>, window_params = [{transform_indices = #map}, {transform_indices = #map}, {transform_indices = #map1}, {transform_indices = #map1}, {transform_indices = #map1}]} {
    %eq3A = arith.constant 0 : i32
    %eq3A_0 = arith.cmpi eq, %arg0, %eq3A : i32
    %convert_element_type3A = arith.extui %eq3A_0 : i1 to i32
    %cond3A = arith.constant 0 : i32
    %cond3A_1 = arith.cmpi ne, %convert_element_type3A, %cond3A : i32
    scf.if %cond3A_1 {
      %mul3A = arith.constant 1024 : i32
      %mul3A_7 = arith.muli %arg1, %mul3A : i32
      "tpu.region"() ({
        %run_scoped3A = tpu.sem_alloc : memref<!tpu.dma_semaphore, #tpu.memory_space<semaphore_mem>>
        %dma_start3A_21 = tpu.memref_slice %arg2[%mul3A_7] : memref<16384xi32, #tpu.memory_space<hbm>> -> memref<512xi32, #tpu.memory_space<hbm>>
        %dma_start3A_22 = tpu.memref_slice %arg2[%mul3A_7] : memref<16384xi32, #tpu.memory_space<hbm>> -> memref<512xi32, #tpu.memory_space<hbm>>
        tpu.enqueue_dma source(%dma_start3A_22 : memref<512xi32, #tpu.memory_space<hbm>>) target(%arg7 : memref<512xi32, #tpu.memory_space<vmem>>) target_semaphore(%run_scoped3A : memref<!tpu.dma_semaphore, #tpu.memory_space<semaphore_mem>>)
        %dma_wait3A_23 = tpu.memref_slice %arg2[%mul3A_7] : memref<16384xi32, #tpu.memory_space<hbm>> -> memref<512xi32, #tpu.memory_space<hbm>>
        %dma_wait3A_24 = tpu.memref_slice %arg2[%mul3A_7] : memref<16384xi32, #tpu.memory_space<hbm>> -> memref<512xi32, #tpu.memory_space<hbm>>
        tpu.wait_dma2 semaphore(%run_scoped3A : memref<!tpu.dma_semaphore, #tpu.memory_space<semaphore_mem>>) src(%dma_wait3A_24 : memref<512xi32, #tpu.memory_space<hbm>>) dst(%arg7 : memref<512xi32, #tpu.memory_space<vmem>>)
        tpu.yield
      }) : () -> ()
      %dma_start3A = arith.constant 0 : i32
      %dma_start3A_8 = arith.constant 0 : i32
      %dma_start3A_9 = tpu.memref_slice %arg4[%dma_start3A, %dma_start3A_8] : memref<16384x64xf32, #tpu.memory_space<hbm>> -> memref<16384x64xf32, #tpu.memory_space<hbm>>
      tpu.enqueue_indirect_dma source(%dma_start3A_9 : memref<16384x64xf32, #tpu.memory_space<hbm>>) target(%arg9 : memref<512x64xf32, #tpu.memory_space<vmem>>) offsets(%arg7 : memref<512xi32, #tpu.memory_space<vmem>>) semaphore(%arg11 : memref<!tpu.dma_semaphore, #tpu.memory_space<semaphore_mem>>)
      %add3A = arith.constant 512 : i32
      %add3A_10 = arith.addi %mul3A_7, %add3A : i32
      "tpu.region"() ({
        %run_scoped3A = tpu.sem_alloc : memref<!tpu.dma_semaphore, #tpu.memory_space<semaphore_mem>>
        %dma_start3A_21 = tpu.memref_slice %arg2[%add3A_10] : memref<16384xi32, #tpu.memory_space<hbm>> -> memref<512xi32, #tpu.memory_space<hbm>>
        %dma_start3A_22 = tpu.memref_slice %arg2[%add3A_10] : memref<16384xi32, #tpu.memory_space<hbm>> -> memref<512xi32, #tpu.memory_space<hbm>>
        tpu.enqueue_dma source(%dma_start3A_22 : memref<512xi32, #tpu.memory_space<hbm>>) target(%arg8 : memref<512xi32, #tpu.memory_space<vmem>>) target_semaphore(%run_scoped3A : memref<!tpu.dma_semaphore, #tpu.memory_space<semaphore_mem>>)
        %dma_wait3A_23 = tpu.memref_slice %arg2[%add3A_10] : memref<16384xi32, #tpu.memory_space<hbm>> -> memref<512xi32, #tpu.memory_space<hbm>>
        %dma_wait3A_24 = tpu.memref_slice %arg2[%add3A_10] : memref<16384xi32, #tpu.memory_space<hbm>> -> memref<512xi32, #tpu.memory_space<hbm>>
        tpu.wait_dma2 semaphore(%run_scoped3A : memref<!tpu.dma_semaphore, #tpu.memory_space<semaphore_mem>>) src(%dma_wait3A_24 : memref<512xi32, #tpu.memory_space<hbm>>) dst(%arg8 : memref<512xi32, #tpu.memory_space<vmem>>)
        tpu.yield
      }) : () -> ()
      %dma_start3A_11 = arith.constant 0 : i32
      %dma_start3A_12 = arith.constant 0 : i32
      %dma_start3A_13 = tpu.memref_slice %arg4[%dma_start3A_11, %dma_start3A_12] : memref<16384x64xf32, #tpu.memory_space<hbm>> -> memref<16384x64xf32, #tpu.memory_space<hbm>>
      tpu.enqueue_indirect_dma source(%dma_start3A_13 : memref<16384x64xf32, #tpu.memory_space<hbm>>) target(%arg10 : memref<512x64xf32, #tpu.memory_space<vmem>>) offsets(%arg8 : memref<512xi32, #tpu.memory_space<vmem>>) semaphore(%arg12 : memref<!tpu.dma_semaphore, #tpu.memory_space<semaphore_mem>>)
      %dma_wait3A = arith.constant 0 : i32
      %dma_wait3A_14 = arith.constant 0 : i32
      %dma_wait3A_15 = tpu.memref_slice %arg4[%dma_wait3A, %dma_wait3A_14] : memref<16384x64xf32, #tpu.memory_space<hbm>> -> memref<16384x64xf32, #tpu.memory_space<hbm>>
      tpu.wait_indirect_dma semaphore(%arg11 : memref<!tpu.dma_semaphore, #tpu.memory_space<semaphore_mem>>) src(%dma_wait3A_15 : memref<16384x64xf32, #tpu.memory_space<hbm>>) dst(%arg9 : memref<512x64xf32, #tpu.memory_space<vmem>>)
      "tpu.region"() ({
        %run_scoped3A = tpu.sem_alloc : memref<!tpu.dma_semaphore, #tpu.memory_space<semaphore_mem>>
        %dma_start3A_21 = arith.constant 0 : i32
        %dma_start3A_22 = tpu.memref_slice %arg6[%mul3A_7, %dma_start3A_21] : memref<16384x128xf32, #tpu.memory_space<hbm>> -> memref<512x64xf32, #tpu.memory_space<hbm>>
        %dma_start3A_23 = arith.constant 0 : i32
        %dma_start3A_24 = tpu.memref_slice %arg6[%mul3A_7, %dma_start3A_23] : memref<16384x128xf32, #tpu.memory_space<hbm>> -> memref<512x64xf32, #tpu.memory_space<hbm>>
        tpu.enqueue_dma source(%arg9 : memref<512x64xf32, #tpu.memory_space<vmem>>) target(%dma_start3A_24 : memref<512x64xf32, #tpu.memory_space<hbm>>) target_semaphore(%run_scoped3A : memref<!tpu.dma_semaphore, #tpu.memory_space<semaphore_mem>>)
        %dma_wait3A_25 = arith.constant 0 : i32
        %dma_wait3A_26 = tpu.memref_slice %arg6[%mul3A_7, %dma_wait3A_25] : memref<16384x128xf32, #tpu.memory_space<hbm>> -> memref<512x64xf32, #tpu.memory_space<hbm>>
        %dma_wait3A_27 = arith.constant 0 : i32
        %dma_wait3A_28 = tpu.memref_slice %arg6[%mul3A_7, %dma_wait3A_27] : memref<16384x128xf32, #tpu.memory_space<hbm>> -> memref<512x64xf32, #tpu.memory_space<hbm>>
        tpu.wait_dma2 semaphore(%run_scoped3A : memref<!tpu.dma_semaphore, #tpu.memory_space<semaphore_mem>>) src(%arg9 : memref<512x64xf32, #tpu.memory_space<vmem>>) dst(%dma_wait3A_28 : memref<512x64xf32, #tpu.memory_space<hbm>>)
        tpu.yield
      }) : () -> ()
      %dma_wait3A_16 = arith.constant 0 : i32
      %dma_wait3A_17 = arith.constant 0 : i32
      %dma_wait3A_18 = tpu.memref_slice %arg4[%dma_wait3A_16, %dma_wait3A_17] : memref<16384x64xf32, #tpu.memory_space<hbm>> -> memref<16384x64xf32, #tpu.memory_space<hbm>>
      tpu.wait_indirect_dma semaphore(%arg12 : memref<!tpu.dma_semaphore, #tpu.memory_space<semaphore_mem>>) src(%dma_wait3A_18 : memref<16384x64xf32, #tpu.memory_space<hbm>>) dst(%arg10 : memref<512x64xf32, #tpu.memory_space<vmem>>)
      %add3A_19 = arith.constant 512 : i32
      %add3A_20 = arith.addi %mul3A_7, %add3A_19 : i32
      "tpu.region"() ({
        %run_scoped3A = tpu.sem_alloc : memref<!tpu.dma_semaphore, #tpu.memory_space<semaphore_mem>>
        %dma_start3A_21 = arith.constant 0 : i32
        %dma_start3A_22 = tpu.memref_slice %arg6[%add3A_20, %dma_start3A_21] : memref<16384x128xf32, #tpu.memory_space<hbm>> -> memref<512x64xf32, #tpu.memory_space<hbm>>
        %dma_start3A_23 = arith.constant 0 : i32
        %dma_start3A_24 = tpu.memref_slice %arg6[%add3A_20, %dma_start3A_23] : memref<16384x128xf32, #tpu.memory_space<hbm>> -> memref<512x64xf32, #tpu.memory_space<hbm>>
        tpu.enqueue_dma source(%arg10 : memref<512x64xf32, #tpu.memory_space<vmem>>) target(%dma_start3A_24 : memref<512x64xf32, #tpu.memory_space<hbm>>) target_semaphore(%run_scoped3A : memref<!tpu.dma_semaphore, #tpu.memory_space<semaphore_mem>>)
        %dma_wait3A_25 = arith.constant 0 : i32
        %dma_wait3A_26 = tpu.memref_slice %arg6[%add3A_20, %dma_wait3A_25] : memref<16384x128xf32, #tpu.memory_space<hbm>> -> memref<512x64xf32, #tpu.memory_space<hbm>>
        %dma_wait3A_27 = arith.constant 0 : i32
        %dma_wait3A_28 = tpu.memref_slice %arg6[%add3A_20, %dma_wait3A_27] : memref<16384x128xf32, #tpu.memory_space<hbm>> -> memref<512x64xf32, #tpu.memory_space<hbm>>
        tpu.wait_dma2 semaphore(%run_scoped3A : memref<!tpu.dma_semaphore, #tpu.memory_space<semaphore_mem>>) src(%arg10 : memref<512x64xf32, #tpu.memory_space<vmem>>) dst(%dma_wait3A_28 : memref<512x64xf32, #tpu.memory_space<hbm>>)
        tpu.yield
      }) : () -> ()
    } else {
    }
    %eq3A_2 = arith.constant 1 : i32
    %eq3A_3 = arith.cmpi eq, %arg0, %eq3A_2 : i32
    %convert_element_type3A_4 = arith.extui %eq3A_3 : i1 to i32
    %cond3A_5 = arith.constant 0 : i32
    %cond3A_6 = arith.cmpi ne, %convert_element_type3A_4, %cond3A_5 : i32
    scf.if %cond3A_6 {
      %mul3A = arith.constant 1024 : i32
      %mul3A_7 = arith.muli %arg1, %mul3A : i32
      "tpu.region"() ({
        %run_scoped3A = tpu.sem_alloc : memref<!tpu.dma_semaphore, #tpu.memory_space<semaphore_mem>>
        %dma_start3A_21 = tpu.memref_slice %arg3[%mul3A_7] : memref<16384xi32, #tpu.memory_space<hbm>> -> memref<512xi32, #tpu.memory_space<hbm>>
        %dma_start3A_22 = tpu.memref_slice %arg3[%mul3A_7] : memref<16384xi32, #tpu.memory_space<hbm>> -> memref<512xi32, #tpu.memory_space<hbm>>
        tpu.enqueue_dma source(%dma_start3A_22 : memref<512xi32, #tpu.memory_space<hbm>>) target(%arg7 : memref<512xi32, #tpu.memory_space<vmem>>) target_semaphore(%run_scoped3A : memref<!tpu.dma_semaphore, #tpu.memory_space<semaphore_mem>>)
        %dma_wait3A_23 = tpu.memref_slice %arg3[%mul3A_7] : memref<16384xi32, #tpu.memory_space<hbm>> -> memref<512xi32, #tpu.memory_space<hbm>>
        %dma_wait3A_24 = tpu.memref_slice %arg3[%mul3A_7] : memref<16384xi32, #tpu.memory_space<hbm>> -> memref<512xi32, #tpu.memory_space<hbm>>
        tpu.wait_dma2 semaphore(%run_scoped3A : memref<!tpu.dma_semaphore, #tpu.memory_space<semaphore_mem>>) src(%dma_wait3A_24 : memref<512xi32, #tpu.memory_space<hbm>>) dst(%arg7 : memref<512xi32, #tpu.memory_space<vmem>>)
        tpu.yield
      }) : () -> ()
      %dma_start3A = arith.constant 0 : i32
      %dma_start3A_8 = arith.constant 0 : i32
      %dma_start3A_9 = tpu.memref_slice %arg5[%dma_start3A, %dma_start3A_8] : memref<16384x64xf32, #tpu.memory_space<hbm>> -> memref<16384x64xf32, #tpu.memory_space<hbm>>
      tpu.enqueue_indirect_dma source(%dma_start3A_9 : memref<16384x64xf32, #tpu.memory_space<hbm>>) target(%arg9 : memref<512x64xf32, #tpu.memory_space<vmem>>) offsets(%arg7 : memref<512xi32, #tpu.memory_space<vmem>>) semaphore(%arg11 : memref<!tpu.dma_semaphore, #tpu.memory_space<semaphore_mem>>)
      %add3A = arith.constant 512 : i32
      %add3A_10 = arith.addi %mul3A_7, %add3A : i32
      "tpu.region"() ({
        %run_scoped3A = tpu.sem_alloc : memref<!tpu.dma_semaphore, #tpu.memory_space<semaphore_mem>>
        %dma_start3A_21 = tpu.memref_slice %arg3[%add3A_10] : memref<16384xi32, #tpu.memory_space<hbm>> -> memref<512xi32, #tpu.memory_space<hbm>>
        %dma_start3A_22 = tpu.memref_slice %arg3[%add3A_10] : memref<16384xi32, #tpu.memory_space<hbm>> -> memref<512xi32, #tpu.memory_space<hbm>>
        tpu.enqueue_dma source(%dma_start3A_22 : memref<512xi32, #tpu.memory_space<hbm>>) target(%arg8 : memref<512xi32, #tpu.memory_space<vmem>>) target_semaphore(%run_scoped3A : memref<!tpu.dma_semaphore, #tpu.memory_space<semaphore_mem>>)
        %dma_wait3A_23 = tpu.memref_slice %arg3[%add3A_10] : memref<16384xi32, #tpu.memory_space<hbm>> -> memref<512xi32, #tpu.memory_space<hbm>>
        %dma_wait3A_24 = tpu.memref_slice %arg3[%add3A_10] : memref<16384xi32, #tpu.memory_space<hbm>> -> memref<512xi32, #tpu.memory_space<hbm>>
        tpu.wait_dma2 semaphore(%run_scoped3A : memref<!tpu.dma_semaphore, #tpu.memory_space<semaphore_mem>>) src(%dma_wait3A_24 : memref<512xi32, #tpu.memory_space<hbm>>) dst(%arg8 : memref<512xi32, #tpu.memory_space<vmem>>)
        tpu.yield
      }) : () -> ()
      %dma_start3A_11 = arith.constant 0 : i32
      %dma_start3A_12 = arith.constant 0 : i32
      %dma_start3A_13 = tpu.memref_slice %arg5[%dma_start3A_11, %dma_start3A_12] : memref<16384x64xf32, #tpu.memory_space<hbm>> -> memref<16384x64xf32, #tpu.memory_space<hbm>>
      tpu.enqueue_indirect_dma source(%dma_start3A_13 : memref<16384x64xf32, #tpu.memory_space<hbm>>) target(%arg10 : memref<512x64xf32, #tpu.memory_space<vmem>>) offsets(%arg8 : memref<512xi32, #tpu.memory_space<vmem>>) semaphore(%arg12 : memref<!tpu.dma_semaphore, #tpu.memory_space<semaphore_mem>>)
      %dma_wait3A = arith.constant 0 : i32
      %dma_wait3A_14 = arith.constant 0 : i32
      %dma_wait3A_15 = tpu.memref_slice %arg5[%dma_wait3A, %dma_wait3A_14] : memref<16384x64xf32, #tpu.memory_space<hbm>> -> memref<16384x64xf32, #tpu.memory_space<hbm>>
      tpu.wait_indirect_dma semaphore(%arg11 : memref<!tpu.dma_semaphore, #tpu.memory_space<semaphore_mem>>) src(%dma_wait3A_15 : memref<16384x64xf32, #tpu.memory_space<hbm>>) dst(%arg9 : memref<512x64xf32, #tpu.memory_space<vmem>>)
      "tpu.region"() ({
        %run_scoped3A = tpu.sem_alloc : memref<!tpu.dma_semaphore, #tpu.memory_space<semaphore_mem>>
        %dma_start3A_21 = arith.constant 64 : i32
        %dma_start3A_22 = tpu.memref_slice %arg6[%mul3A_7, %dma_start3A_21] : memref<16384x128xf32, #tpu.memory_space<hbm>> -> memref<512x64xf32, #tpu.memory_space<hbm>>
        %dma_start3A_23 = arith.constant 64 : i32
        %dma_start3A_24 = tpu.memref_slice %arg6[%mul3A_7, %dma_start3A_23] : memref<16384x128xf32, #tpu.memory_space<hbm>> -> memref<512x64xf32, #tpu.memory_space<hbm>>
        tpu.enqueue_dma source(%arg9 : memref<512x64xf32, #tpu.memory_space<vmem>>) target(%dma_start3A_24 : memref<512x64xf32, #tpu.memory_space<hbm>>) target_semaphore(%run_scoped3A : memref<!tpu.dma_semaphore, #tpu.memory_space<semaphore_mem>>)
        %dma_wait3A_25 = arith.constant 64 : i32
        %dma_wait3A_26 = tpu.memref_slice %arg6[%mul3A_7, %dma_wait3A_25] : memref<16384x128xf32, #tpu.memory_space<hbm>> -> memref<512x64xf32, #tpu.memory_space<hbm>>
        %dma_wait3A_27 = arith.constant 64 : i32
        %dma_wait3A_28 = tpu.memref_slice %arg6[%mul3A_7, %dma_wait3A_27] : memref<16384x128xf32, #tpu.memory_space<hbm>> -> memref<512x64xf32, #tpu.memory_space<hbm>>
        tpu.wait_dma2 semaphore(%run_scoped3A : memref<!tpu.dma_semaphore, #tpu.memory_space<semaphore_mem>>) src(%arg9 : memref<512x64xf32, #tpu.memory_space<vmem>>) dst(%dma_wait3A_28 : memref<512x64xf32, #tpu.memory_space<hbm>>)
        tpu.yield
      }) : () -> ()
      %dma_wait3A_16 = arith.constant 0 : i32
      %dma_wait3A_17 = arith.constant 0 : i32
      %dma_wait3A_18 = tpu.memref_slice %arg5[%dma_wait3A_16, %dma_wait3A_17] : memref<16384x64xf32, #tpu.memory_space<hbm>> -> memref<16384x64xf32, #tpu.memory_space<hbm>>
      tpu.wait_indirect_dma semaphore(%arg12 : memref<!tpu.dma_semaphore, #tpu.memory_space<semaphore_mem>>) src(%dma_wait3A_18 : memref<16384x64xf32, #tpu.memory_space<hbm>>) dst(%arg10 : memref<512x64xf32, #tpu.memory_space<vmem>>)
      %add3A_19 = arith.constant 512 : i32
      %add3A_20 = arith.addi %mul3A_7, %add3A_19 : i32
      "tpu.region"() ({
        %run_scoped3A = tpu.sem_alloc : memref<!tpu.dma_semaphore, #tpu.memory_space<semaphore_mem>>
        %dma_start3A_21 = arith.constant 64 : i32
        %dma_start3A_22 = tpu.memref_slice %arg6[%add3A_20, %dma_start3A_21] : memref<16384x128xf32, #tpu.memory_space<hbm>> -> memref<512x64xf32, #tpu.memory_space<hbm>>
        %dma_start3A_23 = arith.constant 64 : i32
        %dma_start3A_24 = tpu.memref_slice %arg6[%add3A_20, %dma_start3A_23] : memref<16384x128xf32, #tpu.memory_space<hbm>> -> memref<512x64xf32, #tpu.memory_space<hbm>>
        tpu.enqueue_dma source(%arg10 : memref<512x64xf32, #tpu.memory_space<vmem>>) target(%dma_start3A_24 : memref<512x64xf32, #tpu.memory_space<hbm>>) target_semaphore(%run_scoped3A : memref<!tpu.dma_semaphore, #tpu.memory_space<semaphore_mem>>)
        %dma_wait3A_25 = arith.constant 64 : i32
        %dma_wait3A_26 = tpu.memref_slice %arg6[%add3A_20, %dma_wait3A_25] : memref<16384x128xf32, #tpu.memory_space<hbm>> -> memref<512x64xf32, #tpu.memory_space<hbm>>
        %dma_wait3A_27 = arith.constant 64 : i32
        %dma_wait3A_28 = tpu.memref_slice %arg6[%add3A_20, %dma_wait3A_27] : memref<16384x128xf32, #tpu.memory_space<hbm>> -> memref<512x64xf32, #tpu.memory_space<hbm>>
        tpu.wait_dma2 semaphore(%run_scoped3A : memref<!tpu.dma_semaphore, #tpu.memory_space<semaphore_mem>>) src(%arg10 : memref<512x64xf32, #tpu.memory_space<vmem>>) dst(%dma_wait3A_28 : memref<512x64xf32, #tpu.memory_space<hbm>>)
        tpu.yield
      }) : () -> ()
    } else {
    }
    return
  }
}

</mosaic_0001>

<sc_bundles>
// kernel: kernel.4.cloned.1.call-start
scs
__scs_entry_jumppad:
0x0: {  	(pc) =	sbr.rel $0x88, $3  }
0x1: {  	(tag) =	ssettag $0x0;
	lr =	simm.s32 $0x1  }
0x2: {  	[smem:$0x3F9D] =	sst lr;
	_ =	strace $0xD0000000  }
0x3: {  	_ = 	snop  }
0x4: {  	_ = 	snop  }
0x5: {  	_ = 	snop  }
0x6: {  	_ = 	snop  }
0x7: {  	_ = 	snop  }
__scs_overlays_trampoline_lowered:
0x8: {  	[smem:$0x3FAC] =	sst s0  }
0x9: {  	[smem:$0x3FAD] =	sst s1  }
0xa: {  	[smem:$0x3FAE] =	sst s2  }
0xb: {  	[smem:$0x3FAF] =	sst s3  }
0xc: {  	[smem:$0x3FB0] =	sst s4  }
0xd: {  	[smem:$0x3FB1] =	sst s5  }
0xe: {  	[smem:$0x3FB2] =	sst s6  }
0xf: {  	[smem:$0x3FB3] =	sst s7  }
0x10: {  	[smem:$0x3FB4] =	sst s8  }
0x11: {  	[smem:$0x3FB5] =	sst s9;
	s0 =	simm.s32 @!p0 $0x0  }
0x12: {  	s1 =	sld [smem:$0x3F9B];
	s0 =	simm.s32 @p0 $0x1  }
0x13: {  	[smem:$0x3FB6] =	sst s0;
	s0 =	simm.s32 @!p1 $0x0  }
0x14: {  	s2 =	sld [smem:$0x3F9A];
	s0 =	simm.s32 @p1 $0x1  }
0x15: {  	[smem:$0x3FB7] =	sst s0;
	s0 =	simm.s32 @!p2 $0x0  }
0x16: {  	s3 =	sld [smem:$0x3FDB];
	s0 =	simm.s32 @p2 $0x1  }
0x17: {  	s4 =	simm.s32 $0x1BF5;
	[smem:$0x3FB9] =	sst s0  }
0x18: {  	s0 =	sld [smem:$0x3F9C];
	_ =	swait.ge [sflag:s4], $0x0  }
0x19: {  	s7 =	sld [smem:$0x3F9D]  }
0x1a: {  	s8 =	sadd.s32 $0xFFFFE003, lr  }
0x1b: {  	s9 =	sadd.s32 $0xFFFFFEF7, lr;
	s5 =	simm.s32 $0xFFFFFFFF;
	p2 =	slt.u32 s8, $0xFFFFF086  }
0x1c: {  	p1 =	slt.u32 s9, $0xF7A;
	s5 =	simm.s32 @!p2 $0x0  }
0x1d: {  	s5 =	simm.s32 @p1 $0x1;
	p0 =	seq.s32 s7, s2  }
0x1e: {  	s7 =	smul.u32 @!p0 $0xF7A, s2;
	p2 =	seq.s32 @!p0 s5, $0x0  }
0x1f: {  	s9 =	smul.u32 $0xF7A, s1;
	s8 =	simm.s32 @!p0 $0x1BF5;
	p2 =	por !p2, p0  }
0x20: {  	[sflag:s8] =	ssyncset.s32 @!p0 $0xFFFFF086;
	s6 =	sadd.s32 @!p0 s3, s7;
	s7 =	simm.s32 @!p0 $0x108  }
0x21: {  	s3 =	sadd.s32 s3, s9;
	s6 =	sadd.s32 @!p0 $0x88, s6;
	s7 =	simm.s32 @p2 $0x1082  }
0x22: {  	[simem:s7], [sflag:s8] =	dma.local @!p0 [hbm:s6], $0xF7A  }
0x23: {  	s9 =	sor.u32 $0xD0000000, s2;
	s6 =	simm.s32 $0x108;
	_ =	swait.ge @!p0 [sflag:s8], $0x0  }
0x24: {  	s3 =	sadd.s32 $0x88, s3;
	s6 =	simm.s32 @!p1 $0x1082;
	[sflag:s4] =	ssyncset.s32 $0xFFFFF086  }
0x25: {  	[simem:s6], [sflag:s4] =	dma.local [hbm:s3], $0xF7A  }
0x26: {  	[smem:$0x3F9D] =	sst s1;
	(tag) =	ssettag s2;
	_ =	strace s9  }
0x27: {  	s1 =	sld [smem:$0x3FAD]  }
0x28: {  	s2 =	sld [smem:$0x3FAE]  }
0x29: {  	s4 =	sld [smem:$0x3FB0]  }
0x2a: {  	p0 =	seq.s32 s5, $0x0;
	s5 =	sld [smem:$0x3FB1]  }
0x2b: {  	s6 =	sld [smem:$0x3FB2]  }
0x2c: {  	s7 =	sld [smem:$0x3FB3]  }
0x2d: {  	s3 =	simm.s32 $0x108;
	s8 =	sld [smem:$0x3FB4]  }
0x2e: {  	s3 =	simm.s32 @!p0 $0x1082;
	s9 =	sld [smem:$0x3FB5]  }
0x2f: {  	lr =	sadd.s32 s0, s3;
	s0 =	sld [smem:$0x3FAC]  }
0x30: {  	s3 =	sld [smem:$0x3FAF]  }
0x31: {  	[smem:$0x3FB8] =	sst s10  }
0x32: {  	s10 =	sld [smem:$0x3FB6];
	_ =	sdelay $0x3  }
0x33: {  	p0 =	seq.s32 s10, $0x1;
	s10 =	sld [smem:$0x3FB8];
	_ =	sdelay $0x3  }
0x34: {  	[smem:$0x3FB8] =	sst s10  }
0x35: {  	s10 =	sld [smem:$0x3FB7];
	_ =	sdelay $0x3  }
0x36: {  	p1 =	seq.s32 s10, $0x1;
	s10 =	sld [smem:$0x3FB8];
	_ =	sdelay $0x3  }
0x37: {  	[smem:$0x3FB8] =	sst s10  }
0x38: {  	s10 =	sld [smem:$0x3FB9]  }
0x39: {  	_ = 	snop;
	(pc) =	sbr.ind lr, $3  }
0x3a: {  	_ = 	snop  }
0x3b: {  	_ = 	snop  }
0x3c: {  	p2 =	seq.s32 s10, $0x1;
	s10 =	sld [smem:$0x3FB8]  }
0x3d: {  	_ =	shalt  }
0x3e: {  	_ =	shalt  }
0x3f: {  	_ =	shalt  }
0x40: {  	_ =	shalt  }
0x41: {  	_ =	shalt  }
0x42: {  	_ =	shalt  }
0x43: {  	_ =	shalt  }
0x44: {  	_ =	shalt  }
0x45: {  	_ =	shalt  }
0x46: {  	_ =	shalt  }
0x47: {  	_ =	shalt  }
0x48: {  	_ =	shalt  }
0x49: {  	_ =	shalt  }
0x4a: {  	_ =	shalt  }
0x4b: {  	_ =	shalt  }
0x4c: {  	_ =	shalt  }
0x4d: {  	_ =	shalt  }
0x4e: {  	_ =	shalt  }
0x4f: {  	_ =	shalt  }
0x50: {  	_ =	shalt  }
0x51: {  	_ =	shalt  }
0x52: {  	_ =	shalt  }
0x53: {  	_ =	shalt  }
0x54: {  	_ =	shalt  }
0x55: {  	_ =	shalt  }
0x56: {  	_ =	shalt  }
0x57: {  	_ =	shalt  }
0x58: {  	_ =	shalt  }
0x59: {  	_ =	shalt  }
0x5a: {  	_ =	shalt  }
0x5b: {  	_ =	shalt  }
0x5c: {  	_ =	shalt  }
0x5d: {  	_ =	shalt  }
0x5e: {  	_ =	shalt  }
0x5f: {  	_ =	shalt  }
0x60: {  	_ =	shalt  }
0x61: {  	_ =	shalt  }
0x62: {  	_ =	shalt  }
0x63: {  	_ =	shalt  }
0x64: {  	_ =	shalt  }
0x65: {  	_ =	shalt  }
0x66: {  	_ =	shalt  }
0x67: {  	_ =	shalt  }
0x68: {  	_ =	shalt  }
0x69: {  	_ =	shalt  }
0x6a: {  	_ =	shalt  }
0x6b: {  	_ =	shalt  }
0x6c: {  	_ =	shalt  }
0x6d: {  	_ =	shalt  }
0x6e: {  	_ =	shalt  }
0x6f: {  	_ =	shalt  }
0x70: {  	_ =	shalt  }
0x71: {  	_ =	shalt  }
0x72: {  	_ =	shalt  }
0x73: {  	_ =	shalt  }
0x74: {  	_ =	shalt  }
0x75: {  	_ =	shalt  }
0x76: {  	_ =	shalt  }
0x77: {  	_ =	shalt  }
0x78: {  	_ =	shalt  }
0x79: {  	_ =	shalt  }
0x7a: {  	_ =	shalt  }
0x7b: {  	_ =	shalt  }
0x7c: {  	_ =	shalt  }
0x7d: {  	_ =	shalt  }
0x7e: {  	_ =	shalt  }
0x7f: {  	_ =	shalt  }
0x80: {  	_ =	shalt  }
0x81: {  	_ =	shalt  }
0x82: {  	_ =	shalt  }
0x83: {  	_ =	shalt  }
0x84: {  	_ =	shalt  }
0x85: {  	_ =	shalt  }
0x86: {  	_ =	shalt  }
0x87: {  	_ =	shalt  }
.Lfunc_end0:
.L_simem_size_0:
called_computation_lowered:
.L_overlay_start_0:
0x88: {  	s2 =	sld [smem:$0x3FD9]  }
0x89: {  	s3 =	sld [smem:$0x3FFE];
	_ =	sdelay $0x1  }
0x8a: {  	s1 =	srdreg.scid  }
0x8b: {  	s0 =	sand.u32 $0x1, s1  }
0x8c: {  	s17 =	sshll.u32 s0, $0xA;
	s2 =	sadd.s32 s3, s2  }
0x8d: {  	s2 =	sadd.s32 s2, s17  }
0x8e: {  	[smem:$0x3FC4] =	sst s2  }
0x8f: {  	_ = 	snop  }
0x90: {  	s2 =	sld [smem:$0x3FC9]  }
0x91: {  	s18 =	sld [smem:$0x3FC8]  }
0x92: {  	s4 =	sld [smem:$0x3FD0];
	(tm) =	ssettm $0x1  }
0x93: {  	s5 =	sld [smem:$0x3FFB];
	_ =	sdelay $0x3  }
0x94: {  	_ =	strace s5  }
0x95: {  	s5 =	sld [smem:$0x3FFC];
	_ =	sdelay $0x3  }
0x96: {  	_ =	strace s5  }
0x97: {  	s5 =	sld [smem:$0x3FFD];
	_ =	sdelay $0x3  }
0x98: {  	_ =	strace s5  }
0x99: {  	_ =	strace $0x8FFFFFFF  }
0x9a: {  	s19 =	sld [smem:$0x3FDB];
	_ =	sdelay $0x1  }
0x9b: {  	s6 =	simm.s32 $_scs_section_size  }
0x9c: {  	s7 =	simm.s32 $_size__tile_overlayer_lowered;
	s8 =	simm.s32 $_tile_overlayer_lowered  }
0x9d: {  	s22 =	simm.s32 $0x1BFF;
	s21 =	sshll.u32 s8, $0x1;
	s5 =	sadd.s32 s6, s19  }
0x9e: {  	s9 =	simm.s32 $0x0;
	s20 =	sshll.u32 s7, $0x1;
	s7 =	sadd.s32 s21, s5  }
0x9f: {  	[timem:s9], [sflag:s22] =	dma.local [hbm:s7], s20  }
0xa0: {  	_ =	swait.ge [sflag:s22], s20  }
0xa1: {  	s6 =	ssub.s32 $0x0, s20;
	[sflag:s22] =	ssyncset.done $0x0  }
0xa2: {  	[sflag:s22] =	ssyncadd.s32 s6;
	_ =	sdelay $0x1  }
0xa3: {  	s23 =	simm.s32 $0x1B8B  }
0xa4: {  	_ =	swait.ge [sflag:s23], $0x1  }
0xa5: {  	[sflag:s23] =	ssyncset.done $0x0  }
0xa6: {  	s25 =	simm.s32 $0x1B8E;
	s24 =	sld [smem:$0x3FFE];
	[sflag:s23] =	ssyncadd.s32 $0xFFFFFFFF  }
0xa7: {  	s26 =	simm.s32 $execute0_lowered;
	[smem:$0x3FD2] =	sst s25  }
0xa8: {  	s7 =	sshll.u32 s26, $0x1;
	_ =	strace $0x80000046;
	[dreg:$0x1] =	wrdreg $0xFFFFFFFF  }
0xa9: {  	s28 =	simm.s32 $_size_execute0_lowered;
	s5 =	sadd.s32 s5, s7;
	[dreg:$0x0] =	wrdreg $0x0  }
0xaa: {  	s7 =	sshll.u32 s28, $0x1;
	[dreg:$0x2] =	wrdreg s5  }
0xab: {  	[dreg:$0x3] =	wrdreg s7  }
0xac: {  	[dreg:$0x4] =	wrdreg $0xC0  }
0xad: {  	_ =	task [dreg:s9], $0x5FFFF  }
0xae: {  	[dreg:$0x1] =	wrdreg $0xFFFFFFFF  }
0xaf: {  	[dreg:$0x0] =	wrdreg $0x60  }
0xb0: {  	[dreg:$0x2] =	wrdreg s2  }
0xb1: {  	[dreg:$0x3] =	wrdreg s18  }
0xb2: {  	[dreg:$0x4] =	wrdreg s24  }
0xb3: {  	[dreg:$0x5] =	wrdreg s4  }
0xb4: {  	[dreg:$0x6] =	wrdreg $0x9  }
0xb5: {  	_ =	task.clear_ibuf [dreg:s9], $0x7FFFF;
	_ =	strace $0x90000046  }
0xb6: {  	s29 =	simm.s32 $0x9;
	_ =	strace $0x80000048  }
0xb7: {  	_ =	swait.ge [sflag:s29], $0x1  }
0xb8: {  	[sflag:s29] =	ssyncadd.s32 $0xFFFFFFFF  }
0xb9: {  	_ =	strace $0x90000048  }
0xba: {  	_ =	sfence  }
0xbb: {  	s30 =	sld [smem:$0x0];
	_ =	sdelay $0x2  }
0xbc: {  	s31 =	sshll.u32 s1, $0xD;
	s1 =	sshrl.u32 s1, $0x2  }
0xbd: {  	s3 =	sand.u32 $0x4000, s31;
	s1 =	sadd.s32 s1, s30  }
0xbe: {  	s0 =	sor.u32 s3, s0;
	s1 =	sshll.u32 s1, $0x11  }
0xbf: {  	s0 =	sor.u32 s1, s0  }
0xc0: {  	s0 =	sadd.s32 $0x8F2B, s0  }
0xc1: {  	[sflag:s0] =	ssyncadd.remote.s32 $0x1  }
0xc2: {  	_ =	sfence.sel $0xFFFF  }
0xc3: {  	[dreg:$0x0] =	wrdreg $0xFFFFFFFF;
	(pc) =	sbr.abs _section_cstart, $3  }
0xc4: {  	[dreg:$0x1] =	wrdreg $0xFFFFFFFF  }
0xc5: {  	_ =	task.clear_ibuf [dreg:s9], $0x2FFFF;
	_ =	strace $0x9FFFFFFF  }
0xc6: {  	(tm) =	ssettm $0x7FFFFFFF  }
0xc7: {  	_ =	shalt  }
tec
execute0_lowered:
.L_overlay_start_1:
0x0: {  	(tag) =	ssettag $0x1  }
0x1: {  	s1 =	rddreg [dreg:$0x0]  }
0x2: {  	s2 =	rddreg [dreg:$0x1]  }
0x3: {  	s5 =	rddreg [dreg:$0x2]  }
0x4: {  	s3 =	rddreg [dreg:$0x3]  }
0x5: {  	s0 =	rddreg [dreg:$0x4];
	s4 =	simm.s32 $0x0  }
0x6: {  	s6 =	srdreg.scid;
	s12 =	simm.s32 $0x2;
	s13 =	simm.s32 $0x4800  }
0x7: {  	s14 =	simm.s32 $0x4000;
	s15 =	simm.s32 $0x400;
	s17 =	simm.s32 $0x1  }
0x8: {  	s18 =	simm.s32 $0x0;
	[smem:$0x7FF] =	sst s4;
	s9 =	sand.u32 $0x1, s6  }
.Ltmp0:
0x9: {  	s6 =	sadd.s32 $0x20E00, s5;
	s7 =	sadd.s32 $0x21600, s5;
	(pc) =	sbr.rel .LBB2_1-.Ltmp0, $4  }
0xa: {  	s8 =	sadd.s32 $0xE00, s5;
	s5 =	stileid.u32;
	s10 =	ssub.s32 $0x2, s9  }
0xb: {  	_ =	strace $0x80000047;
	p0 =	seq.s32 s9, $0x1;
	s11 =	sshrl.u32 s10, $0x1  }
0xc: {  	s16 =	sshll.u32 s5, $0x10;
	s9 =	sshll.u32 s5, $0xD;
	s11 =	ssub.s32 s10, s11  }
0xd: {  	v1 =	vlaneseq.u32;
	v0 =	vmov s16;
	s16 =	simm.s32 $0x4400;
	s10 =	sshll.u32 s5, $0x7;
	s11 =	smax.u32 s11, $0x1  }
.LBB2_4:
0xe: {  	s22 =	smov.u32 s3  }
0xf: {  	s21 =	smov.u32 s1;
	s20 =	smov.u32 s3;
	s19 =	smov.u32 s6  }
.LBB2_8:
0x10: {  	s22 =	sadd.s32 s22, s9  }
0x11: {  	[hbm4b:s22+s4] =	stream.linear.scatter [tilespmem:s13], [sflag:$0x2], $0x10000, $0x38;
	[tilespmem:$0x14800] =	vst v63  }
0x12: {  	_ =	swait.ge [sflag:s12], $0x10000  }
0x13: {  	[sflag:s12] =	ssyncset.done $0x0  }
0x14: {  	[sflag:s12] =	ssyncadd.s32 $0xFFFF0000  }
0x15: {  	s21 =	sadd.s32 s21, s10;
	[bflag:$0x0] =	sbarrier.arrive $0xFFFF  }
0x16: {  	[tilespmem:s14], [sflag:$0x2] =	stream.linear.gather [hbm4b:s21+s4], $0x400, $0x38;
	[tilespmem:$0x14800] =	vst v63  }
0x17: {  	_ =	swait.ge [sflag:s12], $0x400  }
0x18: {  	[sflag:s12] =	ssyncset.done $0x0  }
0x19: {  	[sflag:s12] =	ssyncadd.s32 $0xFFFFFC00  }
0x1a: {  	[tilespmem:s16], [sflag:$0x1] =	stream.indirect.gather [hbm4b:s20+s15], $0x1, s14, s15, $0xb8;
	[tilespmem:$0x14800] =	vst v63  }
0x1b: {  	s18 =	sadd.s32 $0x1, s18;
	_ =	swait.ge [sflag:s17], $0x400  }
0x1c: {  	p1 =	sne.s32 s18, s11;
	[sflag:s17] =	ssyncset.done $0x0  }
.Ltmp1:
0x1d: {  	s19 =	sadd.s32 s19, s10;
	[sflag:s17] =	ssyncadd.s32 $0xFFFFFC00;
	(pc) =	sbr.rel @!p1 .LBB2_9-.Ltmp1, $4  }
0x1e: {  	[hbm4b:s19+s4] =	stream.linear.scatter [tilespmem:s16], [sflag:$0x2], $0x400, $0x38;
	[tilespmem:$0x14800] =	vst v63  }
0x1f: {  	_ =	swait.ge [sflag:s12], $0x400  }
0x20: {  	[sflag:s12] =	ssyncset.done $0x0  }
0x21: {  	[sflag:s12] =	ssyncadd.s32 $0xFFFFFC00  }
.LBB2_1:
.Ltmp2:
0x22: {  	(pc) =	sbr.rel @!p0 .LBB2_2-.Ltmp2, $1  }
0x23: {  	_ =	sdelay $0x3  }
0x24: {  	[tilespmem:s4], [sflag:$0x2] =	stream.linear.gather [hbm4b:s2+s4], $0x4000, $0x38;
	[tilespmem:$0x14800] =	vst v63  }
0x25: {  	_ =	swait.ge [sflag:s12], $0x4000  }
0x26: {  	[sflag:s12] =	ssyncset.done $0x0  }
0x27: {  	s19 =	simm.s32 $0x70;
	s20 =	simm.s32 $0x40;
	[sflag:s12] =	ssyncadd.s32 $0xFFFFC000  }
.LBB2_6:
0x28: {  	v2 =	vld [tilespmem:s20+$0xFFFFFFC0];
	_ =	sdelay $0x4  }
0x29: {  	v3 =	vsub.s32 v2, v0  }
0x2a: {  	v2 =	vand.u32 $0x7, v2;
	vm0 =	vlt.u32 v3, $0x10000;
	v3 =	vand.u32 $0xFFFFFFF8, v3  }
0x2b: {  	v2 =	vor.u32 v2, v3;
	_ =	sdelay $0x2  }
0x2c: {  	s21 =	sadd.s32 $0xFFFFFF90, s19  }
0x2d: {  	v3 =	vor.u32 s21, v1  }
0x2e: {  	[tilespmem:v2+s13+$0x0] =	vst.idx.msk vm0, v3  }
0x2f: {  	v2 =	vld [tilespmem:s20+$0xFFFFFFD0];
	_ =	sdelay $0x4  }
0x30: {  	v3 =	vsub.s32 v2, v0  }
0x31: {  	v2 =	vand.u32 $0x7, v2;
	vm9 =	vlt.u32 v3, $0x10000;
	v3 =	vand.u32 $0xFFFFFFF8, v3  }
0x32: {  	v2 =	vor.u32 v2, v3;
	_ =	sdelay $0x2  }
0x33: {  	s25 =	sadd.s32 $0xFFFFFFA0, s19  }
0x34: {  	v3 =	vor.u32 s25, v1  }
0x35: {  	[tilespmem:v2+s13+$0x0] =	vst.idx.msk vm9, v3  }
0x36: {  	v2 =	vld [tilespmem:s20+$0xFFFFFFE0];
	_ =	sdelay $0x4  }
0x37: {  	v3 =	vsub.s32 v2, v0  }
0x38: {  	v2 =	vand.u32 $0x7, v2;
	vm10 =	vlt.u32 v3, $0x10000;
	v3 =	vand.u32 $0xFFFFFFF8, v3  }
0x39: {  	v2 =	vor.u32 v2, v3;
	_ =	sdelay $0x2  }
0x3a: {  	s26 =	sadd.s32 $0xFFFFFFB0, s19  }
0x3b: {  	v3 =	vor.u32 s26, v1  }
0x3c: {  	[tilespmem:v2+s13+$0x0] =	vst.idx.msk vm10, v3  }
0x3d: {  	v2 =	vld [tilespmem:s20+$0xFFFFFFF0];
	_ =	sdelay $0x4  }
0x3e: {  	v3 =	vsub.s32 v2, v0  }
0x3f: {  	v2 =	vand.u32 $0x7, v2;
	vm11 =	vlt.u32 v3, $0x10000;
	v3 =	vand.u32 $0xFFFFFFF8, v3  }
0x40: {  	v2 =	vor.u32 v2, v3;
	_ =	sdelay $0x2  }
0x41: {  	s28 =	sadd.s32 $0xFFFFFFC0, s19  }
0x42: {  	v3 =	vor.u32 s28, v1  }
0x43: {  	[tilespmem:v2+s13+$0x0] =	vst.idx.msk vm11, v3  }
0x44: {  	v2 =	vld [tilespmem:s20+$0x0];
	_ =	sdelay $0x4  }
0x45: {  	v3 =	vsub.s32 v2, v0  }
0x46: {  	v2 =	vand.u32 $0x7, v2;
	vm12 =	vlt.u32 v3, $0x10000;
	v3 =	vand.u32 $0xFFFFFFF8, v3  }
0x47: {  	v2 =	vor.u32 v2, v3;
	_ =	sdelay $0x2  }
0x48: {  	s29 =	sadd.s32 $0xFFFFFFD0, s19  }
0x49: {  	v3 =	vor.u32 s29, v1  }
0x4a: {  	[tilespmem:v2+s13+$0x0] =	vst.idx.msk vm12, v3  }
0x4b: {  	v2 =	vld [tilespmem:s20+$0x10];
	_ =	sdelay $0x4  }
0x4c: {  	v3 =	vsub.s32 v2, v0  }
0x4d: {  	v2 =	vand.u32 $0x7, v2;
	vm13 =	vlt.u32 v3, $0x10000;
	v3 =	vand.u32 $0xFFFFFFF8, v3  }
0x4e: {  	v2 =	vor.u32 v2, v3;
	_ =	sdelay $0x2  }
0x4f: {  	s30 =	sadd.s32 $0xFFFFFFE0, s19  }
0x50: {  	v3 =	vor.u32 s30, v1  }
0x51: {  	[tilespmem:v2+s13+$0x0] =	vst.idx.msk vm13, v3  }
0x52: {  	v2 =	vld [tilespmem:s20+$0x20];
	_ =	sdelay $0x4  }
0x53: {  	v3 =	vsub.s32 v2, v0  }
0x54: {  	v2 =	vand.u32 $0x7, v2;
	vm14 =	vlt.u32 v3, $0x10000;
	v3 =	vand.u32 $0xFFFFFFF8, v3  }
0x55: {  	v2 =	vor.u32 v2, v3;
	_ =	sdelay $0x2  }
0x56: {  	s31 =	sadd.s32 $0xFFFFFFF0, s19  }
0x57: {  	v3 =	vor.u32 s31, v1  }
0x58: {  	[tilespmem:v2+s13+$0x0] =	vst.idx.msk vm14, v3  }
0x59: {  	v2 =	vld [tilespmem:s20+$0x30];
	_ =	sdelay $0x4  }
0x5a: {  	v3 =	vsub.s32 v2, v0  }
0x5b: {  	v2 =	vand.u32 $0x7, v2;
	vm15 =	vlt.u32 v3, $0x10000;
	v3 =	vand.u32 $0xFFFFFFF8, v3  }
0x5c: {  	p1 =	sne.s32 s19, $0x3FF0;
	v2 =	vor.u32 v2, v3  }
.Ltmp3:
0x5d: {  	_ = 	snop;
	(pc) =	sbr.rel @p1 .LBB2_6-.Ltmp3, $3  }
0x5e: {  	_ =	sdelay $0x1  }
0x5f: {  	v3 =	vor.u32 s19, v1  }
0x60: {  	s20 =	sadd.s32 $0x80, s20;
	s19 =	sadd.s32 $0x80, s19;
	[tilespmem:v2+s13+$0x0] =	vst.idx.msk vm15, v3  }
.Ltmp4:
0x61: {  	(pc) =	sbr.rel .LBB2_8-.Ltmp4, $3  }
0x62: {  	_ =	sdelay $0x1  }
0x63: {  	s22 =	smov.u32 s8  }
0x64: {  	s21 =	smov.u32 s2;
	s20 =	smov.u32 s8;
	s19 =	smov.u32 s7  }
.LBB2_2:
0x65: {  	[tilespmem:s4], [sflag:$0x2] =	stream.linear.gather [hbm4b:s1+s4], $0x4000, $0x38;
	[tilespmem:$0x14800] =	vst v63  }
0x66: {  	_ =	swait.ge [sflag:s12], $0x4000  }
0x67: {  	[sflag:s12] =	ssyncset.done $0x0  }
0x68: {  	s19 =	simm.s32 $0x70;
	s20 =	simm.s32 $0x40;
	[sflag:s12] =	ssyncadd.s32 $0xFFFFC000  }
.LBB2_3:
0x69: {  	v2 =	vld [tilespmem:s20+$0xFFFFFFC0];
	_ =	sdelay $0x4  }
0x6a: {  	v3 =	vsub.s32 v2, v0  }
0x6b: {  	v2 =	vand.u32 $0x7, v2;
	vm0 =	vlt.u32 v3, $0x10000;
	v3 =	vand.u32 $0xFFFFFFF8, v3  }
0x6c: {  	v2 =	vor.u32 v2, v3;
	_ =	sdelay $0x2  }
0x6d: {  	s21 =	sadd.s32 $0xFFFFFF90, s19  }
0x6e: {  	v3 =	vor.u32 s21, v1  }
0x6f: {  	[tilespmem:v2+s13+$0x0] =	vst.idx.msk vm0, v3  }
0x70: {  	v2 =	vld [tilespmem:s20+$0xFFFFFFD0];
	_ =	sdelay $0x4  }
0x71: {  	v3 =	vsub.s32 v2, v0  }
0x72: {  	v2 =	vand.u32 $0x7, v2;
	vm9 =	vlt.u32 v3, $0x10000;
	v3 =	vand.u32 $0xFFFFFFF8, v3  }
0x73: {  	v2 =	vor.u32 v2, v3;
	_ =	sdelay $0x2  }
0x74: {  	s25 =	sadd.s32 $0xFFFFFFA0, s19  }
0x75: {  	v3 =	vor.u32 s25, v1  }
0x76: {  	[tilespmem:v2+s13+$0x0] =	vst.idx.msk vm9, v3  }
0x77: {  	v2 =	vld [tilespmem:s20+$0xFFFFFFE0];
	_ =	sdelay $0x4  }
0x78: {  	v3 =	vsub.s32 v2, v0  }
0x79: {  	v2 =	vand.u32 $0x7, v2;
	vm10 =	vlt.u32 v3, $0x10000;
	v3 =	vand.u32 $0xFFFFFFF8, v3  }
0x7a: {  	v2 =	vor.u32 v2, v3;
	_ =	sdelay $0x2  }
0x7b: {  	s26 =	sadd.s32 $0xFFFFFFB0, s19  }
0x7c: {  	v3 =	vor.u32 s26, v1  }
0x7d: {  	[tilespmem:v2+s13+$0x0] =	vst.idx.msk vm10, v3  }
0x7e: {  	v2 =	vld [tilespmem:s20+$0xFFFFFFF0];
	_ =	sdelay $0x4  }
0x7f: {  	v3 =	vsub.s32 v2, v0  }
0x80: {  	v2 =	vand.u32 $0x7, v2;
	vm11 =	vlt.u32 v3, $0x10000;
	v3 =	vand.u32 $0xFFFFFFF8, v3  }
0x81: {  	v2 =	vor.u32 v2, v3;
	_ =	sdelay $0x2  }
0x82: {  	s28 =	sadd.s32 $0xFFFFFFC0, s19  }
0x83: {  	v3 =	vor.u32 s28, v1  }
0x84: {  	[tilespmem:v2+s13+$0x0] =	vst.idx.msk vm11, v3  }
0x85: {  	v2 =	vld [tilespmem:s20+$0x0];
	_ =	sdelay $0x4  }
0x86: {  	v3 =	vsub.s32 v2, v0  }
0x87: {  	v2 =	vand.u32 $0x7, v2;
	vm12 =	vlt.u32 v3, $0x10000;
	v3 =	vand.u32 $0xFFFFFFF8, v3  }
0x88: {  	v2 =	vor.u32 v2, v3;
	_ =	sdelay $0x2  }
0x89: {  	s29 =	sadd.s32 $0xFFFFFFD0, s19  }
0x8a: {  	v3 =	vor.u32 s29, v1  }
0x8b: {  	[tilespmem:v2+s13+$0x0] =	vst.idx.msk vm12, v3  }
0x8c: {  	v2 =	vld [tilespmem:s20+$0x10];
	_ =	sdelay $0x4  }
0x8d: {  	v3 =	vsub.s32 v2, v0  }
0x8e: {  	v2 =	vand.u32 $0x7, v2;
	vm13 =	vlt.u32 v3, $0x10000;
	v3 =	vand.u32 $0xFFFFFFF8, v3  }
0x8f: {  	v2 =	vor.u32 v2, v3;
	_ =	sdelay $0x2  }
0x90: {  	s30 =	sadd.s32 $0xFFFFFFE0, s19  }
0x91: {  	v3 =	vor.u32 s30, v1  }
0x92: {  	[tilespmem:v2+s13+$0x0] =	vst.idx.msk vm13, v3  }
0x93: {  	v2 =	vld [tilespmem:s20+$0x20];
	_ =	sdelay $0x4  }
0x94: {  	v3 =	vsub.s32 v2, v0  }
0x95: {  	v2 =	vand.u32 $0x7, v2;
	vm14 =	vlt.u32 v3, $0x10000;
	v3 =	vand.u32 $0xFFFFFFF8, v3  }
0x96: {  	v2 =	vor.u32 v2, v3;
	_ =	sdelay $0x2  }
0x97: {  	s31 =	sadd.s32 $0xFFFFFFF0, s19  }
0x98: {  	v3 =	vor.u32 s31, v1  }
0x99: {  	[tilespmem:v2+s13+$0x0] =	vst.idx.msk vm14, v3  }
0x9a: {  	v2 =	vld [tilespmem:s20+$0x30];
	_ =	sdelay $0x4  }
0x9b: {  	v3 =	vsub.s32 v2, v0  }
0x9c: {  	v2 =	vand.u32 $0x7, v2;
	vm15 =	vlt.u32 v3, $0x10000;
	v3 =	vand.u32 $0xFFFFFFF8, v3  }
0x9d: {  	p1 =	seq.s32 s19, $0x3FF0;
	v2 =	vor.u32 v2, v3  }
.Ltmp5:
0x9e: {  	_ = 	snop;
	(pc) =	sbr.rel @!p1 .LBB2_3-.Ltmp5, $3  }
0x9f: {  	_ =	sdelay $0x1  }
0xa0: {  	v3 =	vor.u32 s19, v1  }
0xa1: {  	s20 =	sadd.s32 $0x80, s20;
	s19 =	sadd.s32 $0x80, s19;
	[tilespmem:v2+s13+$0x0] =	vst.idx.msk vm15, v3  }
.Ltmp6:
0xa2: {  	_ = 	snop;
	(pc) =	sbr.rel .LBB2_4-.Ltmp6, $1  }
0xa3: {  	_ =	sdelay $0x3  }
.LBB2_9:
0xa4: {  	_ =	sfence.sel $0x180000  }
0xa5: {  	[bflag:$0x0] =	sbarrier.arrive $0xFFFF  }
0xa6: {  	p0 =	sne.s32 s5, $0x0;
	_ =	strace $0x90000047  }
0xa7: {  	s0 =	sadd.s32 @!p0 $0x100000, s0;
	[bflag:$0x2] =	sbarrier.arrive $0xFFFF  }
0xa8: {  	[sflag:s0] =	ssyncadd.tile.s32 @!p0 $0x1;
	_ =	shalt  }
.Lfunc_end2:
_tile_overlayer_lowered:
.L_overlay_start_2:
0xa9: {  	(tag) =	ssettag $0x2  }
0xaa: {  	s0 =	rddreg [dreg:$0x0];
	s2 =	stileid.u32  }
0xab: {  	s1 =	rddreg [dreg:$0x1];
	p0 =	sne.s32 s2, $0x0  }
0xac: {  	s3 =	rddreg [dreg:$0x2];
	[bflag:$0x3] =	sbarrier.arrive $0xFFFF;
	s2 =	simm.s32 @!p0 $0x1C02  }
0xad: {  	[timem:s3], [sflag:s2] =	dma.local @!p0 [hbm:s0], s1  }
0xae: {  	s0 =	simm.s32 @!p0 $0x2  }
0xaf: {  	_ =	swait.ge @!p0 [sflag:s0], s1  }
0xb0: {  	s1 =	ssub.s32 @!p0 $0x0, s1;
	[sflag:s0] =	ssyncset.done @!p0 $0x0  }
0xb1: {  	[sflag:s0] =	ssyncadd.s32 @!p0 s1  }
0xb2: {  	[bflag:$0x3] =	sbarrier.arrive $0xFFFF  }
0xb3: {  	_ =	shalt  }

// kernel: kernel.7.cloned.1.call-start
scs
__scs_entry_jumppad:
0x0: {  	(pc) =	sbr.rel $0x88, $3  }
0x1: {  	(tag) =	ssettag $0x0;
	lr =	simm.s32 $0x1  }
0x2: {  	[smem:$0x3F9D] =	sst lr;
	_ =	strace $0xD0000000  }
0x3: {  	_ = 	snop  }
0x4: {  	_ = 	snop  }
0x5: {  	_ = 	snop  }
0x6: {  	_ = 	snop  }
0x7: {  	_ = 	snop  }
__scs_overlays_trampoline_lowered:
0x8: {  	[smem:$0x3FAC] =	sst s0  }
0x9: {  	[smem:$0x3FAD] =	sst s1  }
0xa: {  	[smem:$0x3FAE] =	sst s2  }
0xb: {  	[smem:$0x3FAF] =	sst s3  }
0xc: {  	[smem:$0x3FB0] =	sst s4  }
0xd: {  	[smem:$0x3FB1] =	sst s5  }
0xe: {  	[smem:$0x3FB2] =	sst s6  }
0xf: {  	[smem:$0x3FB3] =	sst s7  }
0x10: {  	[smem:$0x3FB4] =	sst s8  }
0x11: {  	[smem:$0x3FB5] =	sst s9;
	s0 =	simm.s32 @!p0 $0x0  }
0x12: {  	s1 =	sld [smem:$0x3F9B];
	s0 =	simm.s32 @p0 $0x1  }
0x13: {  	[smem:$0x3FB6] =	sst s0;
	s0 =	simm.s32 @!p1 $0x0  }
0x14: {  	s2 =	sld [smem:$0x3F9A];
	s0 =	simm.s32 @p1 $0x1  }
0x15: {  	[smem:$0x3FB7] =	sst s0;
	s0 =	simm.s32 @!p2 $0x0  }
0x16: {  	s3 =	sld [smem:$0x3FDB];
	s0 =	simm.s32 @p2 $0x1  }
0x17: {  	s4 =	simm.s32 $0x1BF5;
	[smem:$0x3FB9] =	sst s0  }
0x18: {  	s0 =	sld [smem:$0x3F9C];
	_ =	swait.ge [sflag:s4], $0x0  }
0x19: {  	s7 =	sld [smem:$0x3F9D]  }
0x1a: {  	s8 =	sadd.s32 $0xFFFFE003, lr  }
0x1b: {  	s9 =	sadd.s32 $0xFFFFFEF7, lr;
	s5 =	simm.s32 $0xFFFFFFFF;
	p2 =	slt.u32 s8, $0xFFFFF086  }
0x1c: {  	p1 =	slt.u32 s9, $0xF7A;
	s5 =	simm.s32 @!p2 $0x0  }
0x1d: {  	s5 =	simm.s32 @p1 $0x1;
	p0 =	seq.s32 s7, s2  }
0x1e: {  	s7 =	smul.u32 @!p0 $0xF7A, s2;
	p2 =	seq.s32 @!p0 s5, $0x0  }
0x1f: {  	s9 =	smul.u32 $0xF7A, s1;
	s8 =	simm.s32 @!p0 $0x1BF5;
	p2 =	por !p2, p0  }
0x20: {  	[sflag:s8] =	ssyncset.s32 @!p0 $0xFFFFF086;
	s6 =	sadd.s32 @!p0 s3, s7;
	s7 =	simm.s32 @!p0 $0x108  }
0x21: {  	s3 =	sadd.s32 s3, s9;
	s6 =	sadd.s32 @!p0 $0x88, s6;
	s7 =	simm.s32 @p2 $0x1082  }
0x22: {  	[simem:s7], [sflag:s8] =	dma.local @!p0 [hbm:s6], $0xF7A  }
0x23: {  	s9 =	sor.u32 $0xD0000000, s2;
	s6 =	simm.s32 $0x108;
	_ =	swait.ge @!p0 [sflag:s8], $0x0  }
0x24: {  	s3 =	sadd.s32 $0x88, s3;
	s6 =	simm.s32 @!p1 $0x1082;
	[sflag:s4] =	ssyncset.s32 $0xFFFFF086  }
0x25: {  	[simem:s6], [sflag:s4] =	dma.local [hbm:s3], $0xF7A  }
0x26: {  	[smem:$0x3F9D] =	sst s1;
	(tag) =	ssettag s2;
	_ =	strace s9  }
0x27: {  	s1 =	sld [smem:$0x3FAD]  }
0x28: {  	s2 =	sld [smem:$0x3FAE]  }
0x29: {  	s4 =	sld [smem:$0x3FB0]  }
0x2a: {  	p0 =	seq.s32 s5, $0x0;
	s5 =	sld [smem:$0x3FB1]  }
0x2b: {  	s6 =	sld [smem:$0x3FB2]  }
0x2c: {  	s7 =	sld [smem:$0x3FB3]  }
0x2d: {  	s3 =	simm.s32 $0x108;
	s8 =	sld [smem:$0x3FB4]  }
0x2e: {  	s3 =	simm.s32 @!p0 $0x1082;
	s9 =	sld [smem:$0x3FB5]  }
0x2f: {  	lr =	sadd.s32 s0, s3;
	s0 =	sld [smem:$0x3FAC]  }
0x30: {  	s3 =	sld [smem:$0x3FAF]  }
0x31: {  	[smem:$0x3FB8] =	sst s10  }
0x32: {  	s10 =	sld [smem:$0x3FB6];
	_ =	sdelay $0x3  }
0x33: {  	p0 =	seq.s32 s10, $0x1;
	s10 =	sld [smem:$0x3FB8];
	_ =	sdelay $0x3  }
0x34: {  	[smem:$0x3FB8] =	sst s10  }
0x35: {  	s10 =	sld [smem:$0x3FB7];
	_ =	sdelay $0x3  }
0x36: {  	p1 =	seq.s32 s10, $0x1;
	s10 =	sld [smem:$0x3FB8];
	_ =	sdelay $0x3  }
0x37: {  	[smem:$0x3FB8] =	sst s10  }
0x38: {  	s10 =	sld [smem:$0x3FB9]  }
0x39: {  	_ = 	snop;
	(pc) =	sbr.ind lr, $3  }
0x3a: {  	_ = 	snop  }
0x3b: {  	_ = 	snop  }
0x3c: {  	p2 =	seq.s32 s10, $0x1;
	s10 =	sld [smem:$0x3FB8]  }
0x3d: {  	_ =	shalt  }
0x3e: {  	_ =	shalt  }
0x3f: {  	_ =	shalt  }
0x40: {  	_ =	shalt  }
0x41: {  	_ =	shalt  }
0x42: {  	_ =	shalt  }
0x43: {  	_ =	shalt  }
0x44: {  	_ =	shalt  }
0x45: {  	_ =	shalt  }
0x46: {  	_ =	shalt  }
0x47: {  	_ =	shalt  }
0x48: {  	_ =	shalt  }
0x49: {  	_ =	shalt  }
0x4a: {  	_ =	shalt  }
0x4b: {  	_ =	shalt  }
0x4c: {  	_ =	shalt  }
0x4d: {  	_ =	shalt  }
0x4e: {  	_ =	shalt  }
0x4f: {  	_ =	shalt  }
0x50: {  	_ =	shalt  }
0x51: {  	_ =	shalt  }
0x52: {  	_ =	shalt  }
0x53: {  	_ =	shalt  }
0x54: {  	_ =	shalt  }
0x55: {  	_ =	shalt  }
0x56: {  	_ =	shalt  }
0x57: {  	_ =	shalt  }
0x58: {  	_ =	shalt  }
0x59: {  	_ =	shalt  }
0x5a: {  	_ =	shalt  }
0x5b: {  	_ =	shalt  }
0x5c: {  	_ =	shalt  }
0x5d: {  	_ =	shalt  }
0x5e: {  	_ =	shalt  }
0x5f: {  	_ =	shalt  }
0x60: {  	_ =	shalt  }
0x61: {  	_ =	shalt  }
0x62: {  	_ =	shalt  }
0x63: {  	_ =	shalt  }
0x64: {  	_ =	shalt  }
0x65: {  	_ =	shalt  }
0x66: {  	_ =	shalt  }
0x67: {  	_ =	shalt  }
0x68: {  	_ =	shalt  }
0x69: {  	_ =	shalt  }
0x6a: {  	_ =	shalt  }
0x6b: {  	_ =	shalt  }
0x6c: {  	_ =	shalt  }
0x6d: {  	_ =	shalt  }
0x6e: {  	_ =	shalt  }
0x6f: {  	_ =	shalt  }
0x70: {  	_ =	shalt  }
0x71: {  	_ =	shalt  }
0x72: {  	_ =	shalt  }
0x73: {  	_ =	shalt  }
0x74: {  	_ =	shalt  }
0x75: {  	_ =	shalt  }
0x76: {  	_ =	shalt  }
0x77: {  	_ =	shalt  }
0x78: {  	_ =	shalt  }
0x79: {  	_ =	shalt  }
0x7a: {  	_ =	shalt  }
0x7b: {  	_ =	shalt  }
0x7c: {  	_ =	shalt  }
0x7d: {  	_ =	shalt  }
0x7e: {  	_ =	shalt  }
0x7f: {  	_ =	shalt  }
0x80: {  	_ =	shalt  }
0x81: {  	_ =	shalt  }
0x82: {  	_ =	shalt  }
0x83: {  	_ =	shalt  }
0x84: {  	_ =	shalt  }
0x85: {  	_ =	shalt  }
0x86: {  	_ =	shalt  }
0x87: {  	_ =	shalt  }
.Lfunc_end0:
.L_simem_size_0:
called_computation.1_lowered:
.L_overlay_start_0:
0x88: {  	s2 =	sld [smem:$0x3FD9]  }
0x89: {  	s3 =	sld [smem:$0x3FFE];
	_ =	sdelay $0x1  }
0x8a: {  	s1 =	srdreg.scid  }
0x8b: {  	s0 =	sand.u32 $0x1, s1  }
0x8c: {  	s17 =	sshll.u32 s0, $0xA;
	s2 =	sadd.s32 s3, s2  }
0x8d: {  	s2 =	sadd.s32 s2, s17  }
0x8e: {  	[smem:$0x3FC4] =	sst s2  }
0x8f: {  	_ = 	snop  }
0x90: {  	s2 =	sld [smem:$0x3FD0];
	(tm) =	ssettm $0x1  }
0x91: {  	s18 =	sld [smem:$0x3FFB];
	_ =	sdelay $0x3  }
0x92: {  	_ =	strace s18  }
0x93: {  	s3 =	sld [smem:$0x3FFC];
	_ =	sdelay $0x3  }
0x94: {  	_ =	strace s3  }
0x95: {  	s3 =	sld [smem:$0x3FFD];
	_ =	sdelay $0x3  }
0x96: {  	_ =	strace s3  }
0x97: {  	_ =	strace $0x8FFFFFFF  }
0x98: {  	s19 =	sld [smem:$0x3FDB];
	_ =	sdelay $0x1  }
0x99: {  	s4 =	simm.s32 $_scs_section_size  }
0x9a: {  	s5 =	simm.s32 $_size__tile_overlayer_lowered;
	s6 =	simm.s32 $_tile_overlayer_lowered  }
0x9b: {  	s22 =	simm.s32 $0x1BFF;
	s21 =	sshll.u32 s6, $0x1;
	s3 =	sadd.s32 s4, s19  }
0x9c: {  	s7 =	simm.s32 $0x0;
	s20 =	sshll.u32 s5, $0x1;
	s5 =	sadd.s32 s21, s3  }
0x9d: {  	[timem:s7], [sflag:s22] =	dma.local [hbm:s5], s20  }
0x9e: {  	_ =	swait.ge [sflag:s22], s20  }
0x9f: {  	s4 =	ssub.s32 $0x0, s20;
	[sflag:s22] =	ssyncset.done $0x0  }
0xa0: {  	[sflag:s22] =	ssyncadd.s32 s4;
	_ =	sdelay $0x1  }
0xa1: {  	s23 =	simm.s32 $0x1B8B  }
0xa2: {  	_ =	swait.ge [sflag:s23], $0x1  }
0xa3: {  	[sflag:s23] =	ssyncset.done $0x0  }
0xa4: {  	s25 =	simm.s32 $0x1B8E;
	s24 =	sld [smem:$0x3FFE];
	[sflag:s23] =	ssyncadd.s32 $0xFFFFFFFF  }
0xa5: {  	s26 =	simm.s32 $execute0_lowered;
	[smem:$0x3FD2] =	sst s25  }
0xa6: {  	s5 =	sshll.u32 s26, $0x1;
	_ =	strace $0x80000049;
	[dreg:$0x1] =	wrdreg $0xFFFFFFFF  }
0xa7: {  	s28 =	simm.s32 $_size_execute0_lowered;
	s3 =	sadd.s32 s3, s5;
	[dreg:$0x0] =	wrdreg $0x0  }
0xa8: {  	s5 =	sshll.u32 s28, $0x1;
	[dreg:$0x2] =	wrdreg s3  }
0xa9: {  	[dreg:$0x3] =	wrdreg s5  }
0xaa: {  	[dreg:$0x4] =	wrdreg $0xC0  }
0xab: {  	_ =	task [dreg:s7], $0x5FFFF  }
0xac: {  	[dreg:$0x1] =	wrdreg $0xFFFFFFFF  }
0xad: {  	[dreg:$0x0] =	wrdreg $0x60  }
0xae: {  	[dreg:$0x2] =	wrdreg s24  }
0xaf: {  	[dreg:$0x3] =	wrdreg s2  }
0xb0: {  	[dreg:$0x4] =	wrdreg $0x9  }
0xb1: {  	_ =	task.clear_ibuf [dreg:s7], $0x5FFFF;
	_ =	strace $0x90000049  }
0xb2: {  	s29 =	simm.s32 $0x9;
	_ =	strace $0x8000004B  }
0xb3: {  	_ =	swait.ge [sflag:s29], $0x1  }
0xb4: {  	[sflag:s29] =	ssyncadd.s32 $0xFFFFFFFF  }
0xb5: {  	_ =	strace $0x9000004B  }
0xb6: {  	_ =	sfence  }
0xb7: {  	s30 =	sld [smem:$0x0];
	_ =	sdelay $0x2  }
0xb8: {  	s31 =	sshll.u32 s1, $0xD;
	s1 =	sshrl.u32 s1, $0x2  }
0xb9: {  	s3 =	sand.u32 $0x4000, s31;
	s1 =	sadd.s32 s1, s30  }
0xba: {  	s0 =	sor.u32 s3, s0;
	s1 =	sshll.u32 s1, $0x11  }
0xbb: {  	s0 =	sor.u32 s1, s0  }
0xbc: {  	s0 =	sadd.s32 $0x8F2B, s0  }
0xbd: {  	[sflag:s0] =	ssyncadd.remote.s32 $0x1  }
0xbe: {  	_ =	sfence.sel $0xFFFF  }
0xbf: {  	[dreg:$0x0] =	wrdreg $0xFFFFFFFF;
	(pc) =	sbr.abs _section_cstart, $3  }
0xc0: {  	[dreg:$0x1] =	wrdreg $0xFFFFFFFF  }
0xc1: {  	_ =	task.clear_ibuf [dreg:s7], $0x2FFFF;
	_ =	strace $0x9FFFFFFF  }
0xc2: {  	(tm) =	ssettm $0x7FFFFFFF  }
0xc3: {  	_ =	shalt  }
tec
execute0_lowered:
.L_overlay_start_1:
0x0: {  	(tag) =	ssettag $0x1  }
0x1: {  	s6 =	rddreg [dreg:$0x0]  }
0x2: {  	s15 =	rddreg [dreg:$0x1]  }
0x3: {  	s0 =	rddreg [dreg:$0x2];
	s1 =	simm.s32 $0x0  }
0x4: {  	s2 =	srdreg.scid;
	[smem:$0x7FF] =	sst s1  }
0x5: {  	s8 =	sadd.s32 $0x20E00, s6;
	s14 =	sand.u32 $0x1, s2;
	s4 =	sadd.s32 $0x21600, s6  }
0x6: {  	s2 =	stileid.u32;
	s3 =	sadd.s32 $0x41E00, s6;
	p0 =	seq.s32 s14, $0x1  }
0x7: {  	_ =	strace $0x8000004A;
	s5 =	sshll.u32 s2, $0x7;
	s8 =	smov.u32 @p0 s4  }
0x8: {  	s7 =	sshll.u32 s2, $0xA;
	s4 =	simm.s32 $0x3;
	s5 =	sadd.s32 s8, s5  }
0x9: {  	[tilespmem:s1], [sflag:$0x3] =	stream.linear.gather [hbm4b:s5+s1], $0x200, $0x38;
	[tilespmem:$0x10400] =	vst v63  }
0xa: {  	s6 =	sadd.s32 $0x21E00, s6;
	s16 =	sor.u32 $0x200, s7;
	_ =	swait.ge [sflag:s4], $0x200  }
0xb: {  	s3 =	smov.u32 @p0 s6;
	s6 =	simm.s32 $0x200;
	[sflag:s4] =	ssyncset.done $0x0  }
0xc: {  	s7 =	simm.s32 $0x400;
	s9 =	sshrl.u32 s16, $0x3;
	[sflag:s4] =	ssyncadd.s32 $0xFFFFFE00  }
0xd: {  	[tilespmem:s7], [sflag:$0x1] =	stream.indirect.gather [hbm4b:s3+s6], $0x40, s1, s6, $0xb8;
	[tilespmem:$0x10400] =	vst v63  }
0xe: {  	s8 =	sadd.s32 s8, s9  }
0xf: {  	[tilespmem:s6], [sflag:$0x3] =	stream.linear.gather [hbm4b:s8+s1], $0x200, $0x38;
	[tilespmem:$0x10400] =	vst v63  }
0x10: {  	_ =	swait.ge [sflag:s4], $0x200  }
0x11: {  	s10 =	simm.s32 $0x1;
	[sflag:s4] =	ssyncset.done $0x0  }
0x12: {  	s13 =	simm.s32 $0x80;
	s9 =	simm.s32 $0x8400;
	[sflag:s4] =	ssyncadd.s32 $0xFFFFFE00  }
0x13: {  	[tilespmem:s9], [sflag:$0x2] =	stream.indirect.gather [hbm4b:s3+s6], $0x40, s6, s6, $0xb8;
	[tilespmem:$0x10400] =	vst v63  }
0x14: {  	s11 =	sadd.s32 $0x8, s15;
	s12 =	sshll.u32 s2, $0xE;
	_ =	swait.ge [sflag:s10], $0x8000  }
0x15: {  	s17 =	ssub.s32 $0x2, s14;
	s15 =	smov.u32 @p0 s11;
	[sflag:s10] =	ssyncset.done $0x0  }
0x16: {  	s11 =	sadd.s32 s12, s15;
	s12 =	simm.s32 $0x40;
	[sflag:s10] =	ssyncadd.s32 $0xFFFF8000  }
0x17: {  	[hbm4b:s11+s12] =	stream.strided.scatter [tilespmem:s7], [sflag:$0x3], $0x8000, s13, s12, $0x38;
	[tilespmem:$0x10400] =	vst v63  }
0x18: {  	s18 =	sshrl.u32 s17, $0x1;
	_ =	swait.ge [sflag:s4], $0x8000  }
0x19: {  	s17 =	ssub.s32 s17, s18;
	[sflag:s4] =	ssyncset.done $0x0  }
0x1a: {  	s14 =	simm.s32 $0x2;
	s31 =	smax.u32 s17, $0x1;
	[sflag:s4] =	ssyncadd.s32 $0xFFFF8000  }
0x1b: {  	p0 =	sne.s32 s31, $0x1;
	_ =	swait.ge [sflag:s14], $0x8000  }
.Ltmp0:
0x1c: {  	s16 =	sshll.u32 s16, $0x4;
	[sflag:s14] =	ssyncset.done $0x0;
	(pc) =	sbr.rel @!p0 .LBB2_2-.Ltmp0, $4  }
0x1d: {  	s15 =	sadd.s32 s16, s15;
	[sflag:s14] =	ssyncadd.s32 $0xFFFF8000  }
0x1e: {  	[hbm4b:s15+s12] =	stream.strided.scatter [tilespmem:s9], [sflag:$0x3], $0x8000, s13, s12, $0x38;
	[tilespmem:$0x10400] =	vst v63  }
0x1f: {  	_ =	swait.ge [sflag:s4], $0x8000  }
0x20: {  	s16 =	sadd.s32 $0xFFFFFFFF, s31;
	[sflag:s4] =	ssyncset.done $0x0  }
.LBB2_1:
0x21: {  	p0 =	sne.s32 s16, $0x1;
	s16 =	sadd.s32 $0xFFFFFFFF, s16;
	[sflag:s4] =	ssyncadd.s32 $0xFFFF8000  }
0x22: {  	[tilespmem:s1], [sflag:$0x3] =	stream.linear.gather [hbm4b:s5+s1], $0x200, $0x38;
	[tilespmem:$0x10400] =	vst v63  }
0x23: {  	_ =	swait.ge [sflag:s4], $0x200  }
0x24: {  	[sflag:s4] =	ssyncset.done $0x0  }
0x25: {  	[sflag:s4] =	ssyncadd.s32 $0xFFFFFE00  }
0x26: {  	[tilespmem:s7], [sflag:$0x1] =	stream.indirect.gather [hbm4b:s3+s6], $0x40, s1, s6, $0xb8;
	[tilespmem:$0x10400] =	vst v63  }
0x27: {  	_ = 	snop  }
0x28: {  	[tilespmem:s6], [sflag:$0x3] =	stream.linear.gather [hbm4b:s8+s1], $0x200, $0x38;
	[tilespmem:$0x10400] =	vst v63  }
0x29: {  	_ =	swait.ge [sflag:s4], $0x200  }
0x2a: {  	[sflag:s4] =	ssyncset.done $0x0  }
0x2b: {  	[sflag:s4] =	ssyncadd.s32 $0xFFFFFE00  }
0x2c: {  	[tilespmem:s9], [sflag:$0x2] =	stream.indirect.gather [hbm4b:s3+s6], $0x40, s6, s6, $0xb8;
	[tilespmem:$0x10400] =	vst v63  }
0x2d: {  	_ =	swait.ge [sflag:s10], $0x8000  }
0x2e: {  	[sflag:s10] =	ssyncset.done $0x0  }
0x2f: {  	[sflag:s10] =	ssyncadd.s32 $0xFFFF8000  }
0x30: {  	[hbm4b:s11+s12] =	stream.strided.scatter [tilespmem:s7], [sflag:$0x3], $0x8000, s13, s12, $0x38;
	[tilespmem:$0x10400] =	vst v63  }
0x31: {  	_ =	swait.ge [sflag:s4], $0x8000  }
0x32: {  	[sflag:s4] =	ssyncset.done $0x0  }
0x33: {  	[sflag:s4] =	ssyncadd.s32 $0xFFFF8000  }
0x34: {  	_ =	swait.ge [sflag:s14], $0x8000  }
.Ltmp1:
0x35: {  	[sflag:s14] =	ssyncset.done $0x0;
	(pc) =	sbr.rel @p0 .LBB2_1-.Ltmp1, $4  }
0x36: {  	[sflag:s14] =	ssyncadd.s32 $0xFFFF8000  }
0x37: {  	[hbm4b:s15+s12] =	stream.strided.scatter [tilespmem:s9], [sflag:$0x3], $0x8000, s13, s12, $0x38;
	[tilespmem:$0x10400] =	vst v63  }
0x38: {  	_ =	swait.ge [sflag:s4], $0x8000  }
0x39: {  	[sflag:s4] =	ssyncset.done $0x0  }
.LBB2_2:
0x3a: {  	[sflag:s4] =	ssyncadd.s32 $0xFFFF8000  }
0x3b: {  	_ =	sfence.sel $0x180000  }
0x3c: {  	[bflag:$0x0] =	sbarrier.arrive $0xFFFF  }
0x3d: {  	p0 =	sne.s32 s2, $0x0;
	_ =	strace $0x9000004A  }
0x3e: {  	s0 =	sadd.s32 @!p0 $0x100000, s0;
	[bflag:$0x2] =	sbarrier.arrive $0xFFFF  }
0x3f: {  	[sflag:s0] =	ssyncadd.tile.s32 @!p0 $0x1;
	_ =	shalt  }
.Lfunc_end2:
_tile_overlayer_lowered:
.L_overlay_start_2:
0x40: {  	(tag) =	ssettag $0x2  }
0x41: {  	s0 =	rddreg [dreg:$0x0];
	s2 =	stileid.u32  }
0x42: {  	s1 =	rddreg [dreg:$0x1];
	p0 =	sne.s32 s2, $0x0  }
0x43: {  	s3 =	rddreg [dreg:$0x2];
	[bflag:$0x3] =	sbarrier.arrive $0xFFFF;
	s2 =	simm.s32 @!p0 $0x1C03  }
0x44: {  	[timem:s3], [sflag:s2] =	dma.local @!p0 [hbm:s0], s1  }
0x45: {  	s0 =	simm.s32 @!p0 $0x3  }
0x46: {  	_ =	swait.ge @!p0 [sflag:s0], s1  }
0x47: {  	s1 =	ssub.s32 @!p0 $0x0, s1;
	[sflag:s0] =	ssyncset.done @!p0 $0x0  }
0x48: {  	[sflag:s0] =	ssyncadd.s32 @!p0 s1  }
0x49: {  	[bflag:$0x3] =	sbarrier.arrive $0xFFFF  }
0x4a: {  	_ =	shalt  }

</sc_bundles>
